<compile_context>
chip_gen: v7x
topology: tpu7x:2x2x1
jax: 0.10.2.dev20260603
libtpu: 0.0.44.dev20260713+nightly
codegen_flags: <defaults>
</compile_context>

<pallas_src>
import numpy as np
import jax
import jax.numpy as jnp
from jax import lax
from jax.experimental import pallas as pl
from jax.experimental.pallas import tpu as pltpu
from jax.experimental.pallas import tpu_sc as plsc

N = 64
D = N * (N + 1) // 2
NN = N * N
L = 16
NC, NS = 2, 16
NW = NC * NS
KB = 4


def _gather_map() -> np.ndarray:
    iu, ju = np.triu_indices(N)
    M = np.zeros((N, N), np.int32)
    M[iu, ju] = np.arange(iu.size, dtype=np.int32)
    M = M + M.T - np.diag(np.diag(M))
    return M.reshape(-1)


def _body(x_hbm, gmap_hbm, out_hbm, gmap_v, x_v0, x_v1, o_v0, o_v1,
          sx0, sx1, so0, so1):
    cid = lax.axis_index("c")
    sid = lax.axis_index("s")
    wid = sid * NC + cid
    rows_per_w = x_hbm.shape[0] // NW
    nchunks = rows_per_w // KB
    base = wid * rows_per_w

    x_bufs = (x_v0, x_v1)
    o_bufs = (o_v0, o_v1)
    sx = (sx0, sx1)
    so = (so0, so1)

    pltpu.sync_copy(gmap_hbm, gmap_v)

    def start_in(g, s):
        pltpu.async_copy(
            x_hbm.at[pl.ds(base + g * KB, KB)], x_bufs[s], sx[s]
        )

    start_in(0, 0)
    start_in(1, 1)

    @pl.loop(0, nchunks, step=2)
    def _chunk(g0):
        for s in range(2):
            g = g0 + s
            x_v = x_bufs[s]
            o_v = o_bufs[s]
            pltpu.make_async_copy(
                x_hbm.at[pl.ds(0, KB)], x_v, sx[s]
            ).wait()

            @pl.when(g >= 2)
            def _():
                pltpu.make_async_copy(
                    o_v, out_hbm.at[pl.ds(0, KB)], so[s]
                ).wait()

            @plsc.parallel_loop(0, N, unroll=2)
            def _i(i):
                for k in range(N // L):
                    idx = gmap_v[pl.ds(i * N + k * L, L)]
                    for b in range(KB):
                        vals = plsc.load_gather(
                            x_v, [jnp.full((L,), b, jnp.int32), idx]
                        )
                        o_v[b, i, pl.ds(k * L, L)] = vals

            pltpu.async_copy(
                o_v, out_hbm.at[pl.ds(base + g * KB, KB)], so[s]
            )

            @pl.when(g + 2 < nchunks)
            def _():
                start_in(g + 2, s)

    for s in range(2):
        pltpu.make_async_copy(
            o_bufs[s], out_hbm.at[pl.ds(0, KB)], so[s]
        ).wait()


def kernel(input):
    B = input.shape[0]
    gmap = jnp.asarray(_gather_map())
    mesh = plsc.VectorSubcoreMesh(
        core_axis_name="c", subcore_axis_name="s", num_cores=NC, num_subcores=NS
    )
    run = pl.kernel(
        _body,
        out_type=jax.ShapeDtypeStruct((B, N, N), jnp.float32),
        mesh=mesh,
        scratch_types=[
            pltpu.VMEM((NN,), jnp.int32),
            pltpu.VMEM((KB, D), jnp.float32),
            pltpu.VMEM((KB, D), jnp.float32),
            pltpu.VMEM((KB, N, N), jnp.float32),
            pltpu.VMEM((KB, N, N), jnp.float32),
            pltpu.SemaphoreType.DMA,
            pltpu.SemaphoreType.DMA,
            pltpu.SemaphoreType.DMA,
            pltpu.SemaphoreType.DMA,
        ],
        compiler_params=pltpu.CompilerParams(
            use_tc_tiling_on_sc=True, needs_layout_passes=False
        ),
    )
    return run(input, gmap)

# --- scband reference (transcript-rebuilt; emitter-appended) ---
"""Pipeline reference for scband-spdun-vectorize-21328807592136 (READ-ONLY COPY).

The authoritative reference and input builder live on the scoring server;
editing this copy changes nothing except your own understanding.
"""

import jax, jax.numpy as jnp
import numpy as np


def setup_inputs(seed: int = 0) -> dict:
    key = jax.random.key(seed)
    x = jax.random.normal(key, (8192, 2080), dtype=jnp.float32)
    return {"input": x}


def reference(input):
    B, D = input.shape
    n = int(-0.5 + 0.5 * np.sqrt(1 + 8 * D))
    iu, ju = np.triu_indices(n)
    # scatter packed upper-triangular entries into a zero matrix
    S = jnp.zeros((B, n, n), dtype=input.dtype).at[:, iu, ju].set(input)
    # symmetrize: out = S + S^T, then halve the diagonal (which was doubled)
    out = S + jnp.swapaxes(S, 1, 2)
    d = jnp.arange(n)
    out = out.at[:, d, d].multiply(0.5)
    return out

if __name__ == "__main__":
    import jax
    _d = setup_inputs()
    print(jax.jit(kernel)(*tuple(_d.values())))

</pallas_src>

<mosaic_0001>
#map = affine_map<(d0, d1) -> (0, 0)>
#map1 = affine_map<(d0, d1) -> (0)>
#map2 = affine_map<(d0, d1) -> (0, 0, 0)>
module attributes {stable_mosaic.version = 14 : i64} {
  func.func @_body(%arg0: i32, %arg1: i32, %arg2: memref<8192x2080xf32, #tpu.memory_space<hbm>>, %arg3: memref<4096xi32, #tpu.memory_space<hbm>>, %arg4: memref<8192x64x64xf32, #tpu.memory_space<hbm>>, %arg5: memref<4096xi32, #tpu.memory_space<vmem>>, %arg6: memref<4x2080xf32, #tpu.memory_space<vmem>>, %arg7: memref<4x2080xf32, #tpu.memory_space<vmem>>, %arg8: memref<4x64x64xf32, #tpu.memory_space<vmem>>, %arg9: memref<4x64x64xf32, #tpu.memory_space<vmem>>, %arg10: memref<!tpu.dma_semaphore, #tpu.memory_space<semaphore_mem>>, %arg11: memref<!tpu.dma_semaphore, #tpu.memory_space<semaphore_mem>>, %arg12: memref<!tpu.dma_semaphore, #tpu.memory_space<semaphore_mem>>, %arg13: memref<!tpu.dma_semaphore, #tpu.memory_space<semaphore_mem>>) attributes {dimension_semantics = [#tpu.dimension_semantics<core_parallel>, #tpu.dimension_semantics<subcore_parallel>], iteration_bounds = array<i64: 2, 16>, scalar_prefetch = 0 : i64, scratch_operands = 9 : i64, tpu.core_type = #tpu.core_type<sc_vector_subcore>, window_params = [{transform_indices = #map}, {transform_indices = #map1}, {transform_indices = #map2}]} {
    %mul3A = arith.constant 2 : i32
    %mul3A_0 = arith.muli %arg1, %mul3A : i32
    %add3A = arith.addi %mul3A_0, %arg0 : i32
    %mul3A_1 = arith.constant 256 : i32
    %mul3A_2 = arith.muli %add3A, %mul3A_1 : i32
    "tpu.region"() ({
      %run_scoped3A = tpu.sem_alloc : memref<!tpu.dma_semaphore, #tpu.memory_space<semaphore_mem>>
      tpu.enqueue_dma source(%arg3 : memref<4096xi32, #tpu.memory_space<hbm>>) target(%arg5 : memref<4096xi32, #tpu.memory_space<vmem>>) target_semaphore(%run_scoped3A : memref<!tpu.dma_semaphore, #tpu.memory_space<semaphore_mem>>)
      tpu.wait_dma2 semaphore(%run_scoped3A : memref<!tpu.dma_semaphore, #tpu.memory_space<semaphore_mem>>) src(%arg3 : memref<4096xi32, #tpu.memory_space<hbm>>) dst(%arg5 : memref<4096xi32, #tpu.memory_space<vmem>>)
      tpu.yield
    }) : () -> ()
    %add3A_3 = arith.constant 0 : i32
    %add3A_4 = arith.addi %mul3A_2, %add3A_3 : i32
    %dma_start3A = arith.constant 0 : i32
    %dma_start3A_5 = tpu.memref_slice %arg2[%add3A_4, %dma_start3A] : memref<8192x2080xf32, #tpu.memory_space<hbm>> -> memref<4x2080xf32, #tpu.memory_space<hbm>>
    %dma_start3A_6 = arith.constant 0 : i32
    %dma_start3A_7 = tpu.memref_slice %arg2[%add3A_4, %dma_start3A_6] : memref<8192x2080xf32, #tpu.memory_space<hbm>> -> memref<4x2080xf32, #tpu.memory_space<hbm>>
    tpu.enqueue_dma source(%dma_start3A_7 : memref<4x2080xf32, #tpu.memory_space<hbm>>) target(%arg6 : memref<4x2080xf32, #tpu.memory_space<vmem>>) target_semaphore(%arg10 : memref<!tpu.dma_semaphore, #tpu.memory_space<semaphore_mem>>)
    %add3A_8 = arith.constant 4 : i32
    %add3A_9 = arith.addi %mul3A_2, %add3A_8 : i32
    %dma_start3A_10 = arith.constant 0 : i32
    %dma_start3A_11 = tpu.memref_slice %arg2[%add3A_9, %dma_start3A_10] : memref<8192x2080xf32, #tpu.memory_space<hbm>> -> memref<4x2080xf32, #tpu.memory_space<hbm>>
    %dma_start3A_12 = arith.constant 0 : i32
    %dma_start3A_13 = tpu.memref_slice %arg2[%add3A_9, %dma_start3A_12] : memref<8192x2080xf32, #tpu.memory_space<hbm>> -> memref<4x2080xf32, #tpu.memory_space<hbm>>
    tpu.enqueue_dma source(%dma_start3A_13 : memref<4x2080xf32, #tpu.memory_space<hbm>>) target(%arg7 : memref<4x2080xf32, #tpu.memory_space<vmem>>) target_semaphore(%arg11 : memref<!tpu.dma_semaphore, #tpu.memory_space<semaphore_mem>>)
    %scan3A = arith.constant 0 : i32
    %scan3A_14 = arith.constant 32 : i32
    %scan3A_15 = arith.addi %scan3A, %scan3A_14 : i32
    %scan3A_16 = arith.constant 1 : i32
    scf.for %scan3A_33 = %scan3A to %scan3A_15 step %scan3A_16  : i32 {
      %mul3A_34 = arith.constant 2 : i32
      %mul3A_35 = arith.muli %scan3A_33, %mul3A_34 : i32
      %add3A_36 = arith.constant 0 : i32
      %add3A_37 = arith.addi %add3A_36, %mul3A_35 : i32
      %add3A_38 = arith.constant 0 : i32
      %add3A_39 = arith.addi %add3A_37, %add3A_38 : i32
      %dma_wait3A_40 = arith.constant 0 : i32
      %dma_wait3A_41 = arith.constant 0 : i32
      %dma_wait3A_42 = tpu.memref_slice %arg2[%dma_wait3A_40, %dma_wait3A_41] : memref<8192x2080xf32, #tpu.memory_space<hbm>> -> memref<4x2080xf32, #tpu.memory_space<hbm>>
      %dma_wait3A_43 = arith.constant 0 : i32
      %dma_wait3A_44 = arith.constant 0 : i32
      %dma_wait3A_45 = tpu.memref_slice %arg2[%dma_wait3A_43, %dma_wait3A_44] : memref<8192x2080xf32, #tpu.memory_space<hbm>> -> memref<4x2080xf32, #tpu.memory_space<hbm>>
      tpu.wait_dma2 semaphore(%arg10 : memref<!tpu.dma_semaphore, #tpu.memory_space<semaphore_mem>>) src(%dma_wait3A_45 : memref<4x2080xf32, #tpu.memory_space<hbm>>) dst(%arg6 : memref<4x2080xf32, #tpu.memory_space<vmem>>)
      %ge3A = arith.constant 2 : i32
      %ge3A_46 = arith.cmpi sge, %add3A_39, %ge3A : i32
      %convert_element_type3A = arith.extui %ge3A_46 : i1 to i32
      %cond3A = arith.constant 0 : i32
      %cond3A_47 = arith.cmpi ne, %convert_element_type3A, %cond3A : i32
      scf.if %cond3A_47 {
        %dma_wait3A_97 = arith.constant 0 : i32
        %dma_wait3A_98 = arith.constant 0 : i32
        %dma_wait3A_99 = arith.constant 0 : i32
        %dma_wait3A_100 = tpu.memref_slice %arg4[%dma_wait3A_97, %dma_wait3A_98, %dma_wait3A_99] : memref<8192x64x64xf32, #tpu.memory_space<hbm>> -> memref<4x64x64xf32, #tpu.memory_space<hbm>>
        %dma_wait3A_101 = arith.constant 0 : i32
        %dma_wait3A_102 = arith.constant 0 : i32
        %dma_wait3A_103 = arith.constant 0 : i32
        %dma_wait3A_104 = tpu.memref_slice %arg4[%dma_wait3A_101, %dma_wait3A_102, %dma_wait3A_103] : memref<8192x64x64xf32, #tpu.memory_space<hbm>> -> memref<4x64x64xf32, #tpu.memory_space<hbm>>
        tpu.wait_dma2 semaphore(%arg12 : memref<!tpu.dma_semaphore, #tpu.memory_space<semaphore_mem>>) src(%arg8 : memref<4x64x64xf32, #tpu.memory_space<vmem>>) dst(%dma_wait3A_104 : memref<4x64x64xf32, #tpu.memory_space<hbm>>)
      } else {
      }
      %parallel_loop3A = arith.constant 0 : i32
      %parallel_loop3A_48 = arith.constant 64 : i32
      %parallel_loop3A_49 = arith.constant 1 : i32
      scf.for %parallel_loop3A_97 = %parallel_loop3A to %parallel_loop3A_48 step %parallel_loop3A_49  : i32 {
        %parallel_loop3A_98 = arith.constant 64 : i32
        %parallel_loop3A_99 = arith.muli %parallel_loop3A_97, %parallel_loop3A_98 : i32
        %parallel_loop3A_100 = arith.constant 0 : i32
        %parallel_loop3A_101 = arith.addi %parallel_loop3A_99, %parallel_loop3A_100 : i32
        %parallel_loop3A_102 = arith.index_cast %parallel_loop3A_101 : i32 to index
        %parallel_loop3A_103 = tpu.vector_load %arg5[%parallel_loop3A_102] {strides = array<i32>} : memref<4096xi32, #tpu.memory_space<vmem>>, vector<16xi32>,
        %parallel_loop3A_104 = arith.constant 0 : i32
        %parallel_loop3A_105 = vector.broadcast %parallel_loop3A_104 : i32 to vector<16xi32>
        %parallel_loop3A_106 = tpu.vector_load_idx %arg6[%parallel_loop3A_105, %parallel_loop3A_103] : memref<4x2080xf32, #tpu.memory_space<vmem>>[vector<16xi32>, vector<16xi32>], vector<16xf32>,
        %parallel_loop3A_107 = arith.constant 0 : i32
        %parallel_loop3A_108 = arith.index_cast %parallel_loop3A_107 : i32 to index
        %parallel_loop3A_109 = arith.index_cast %parallel_loop3A_97 : i32 to index
        %parallel_loop3A_110 = arith.constant 0 : index
        %parallel_loop3A_111 = tpu.vector_load %arg8[%parallel_loop3A_108, %parallel_loop3A_109, %parallel_loop3A_110] {strides = array<i32>} : memref<4x64x64xf32, #tpu.memory_space<vmem>>, vector<16xf32>,
        tpu.vector_store %arg8[%parallel_loop3A_108, %parallel_loop3A_109, %parallel_loop3A_110], %parallel_loop3A_106 {strides = array<i32>} : memref<4x64x64xf32, #tpu.memory_space<vmem>>, vector<16xf32>,
        %parallel_loop3A_112 = arith.constant 1 : i32
        %parallel_loop3A_113 = vector.broadcast %parallel_loop3A_112 : i32 to vector<16xi32>
        %parallel_loop3A_114 = tpu.vector_load_idx %arg6[%parallel_loop3A_113, %parallel_loop3A_103] : memref<4x2080xf32, #tpu.memory_space<vmem>>[vector<16xi32>, vector<16xi32>], vector<16xf32>,
        %parallel_loop3A_115 = arith.constant 1 : i32
        %parallel_loop3A_116 = arith.index_cast %parallel_loop3A_115 : i32 to index
        %parallel_loop3A_117 = arith.index_cast %parallel_loop3A_97 : i32 to index
        %parallel_loop3A_118 = arith.constant 0 : index
        %parallel_loop3A_119 = tpu.vector_load %arg8[%parallel_loop3A_116, %parallel_loop3A_117, %parallel_loop3A_118] {strides = array<i32>} : memref<4x64x64xf32, #tpu.memory_space<vmem>>, vector<16xf32>,
        tpu.vector_store %arg8[%parallel_loop3A_116, %parallel_loop3A_117, %parallel_loop3A_118], %parallel_loop3A_114 {strides = array<i32>} : memref<4x64x64xf32, #tpu.memory_space<vmem>>, vector<16xf32>,
        %parallel_loop3A_120 = arith.constant 2 : i32
        %parallel_loop3A_121 = vector.broadcast %parallel_loop3A_120 : i32 to vector<16xi32>
        %parallel_loop3A_122 = tpu.vector_load_idx %arg6[%parallel_loop3A_121, %parallel_loop3A_103] : memref<4x2080xf32, #tpu.memory_space<vmem>>[vector<16xi32>, vector<16xi32>], vector<16xf32>,
        %parallel_loop3A_123 = arith.constant 2 : i32
        %parallel_loop3A_124 = arith.index_cast %parallel_loop3A_123 : i32 to index
        %parallel_loop3A_125 = arith.index_cast %parallel_loop3A_97 : i32 to index
        %parallel_loop3A_126 = arith.constant 0 : index
        %parallel_loop3A_127 = tpu.vector_load %arg8[%parallel_loop3A_124, %parallel_loop3A_125, %parallel_loop3A_126] {strides = array<i32>} : memref<4x64x64xf32, #tpu.memory_space<vmem>>, vector<16xf32>,
        tpu.vector_store %arg8[%parallel_loop3A_124, %parallel_loop3A_125, %parallel_loop3A_126], %parallel_loop3A_122 {strides = array<i32>} : memref<4x64x64xf32, #tpu.memory_space<vmem>>, vector<16xf32>,
        %parallel_loop3A_128 = arith.constant 3 : i32
        %parallel_loop3A_129 = vector.broadcast %parallel_loop3A_128 : i32 to vector<16xi32>
        %parallel_loop3A_130 = tpu.vector_load_idx %arg6[%parallel_loop3A_129, %parallel_loop3A_103] : memref<4x2080xf32, #tpu.memory_space<vmem>>[vector<16xi32>, vector<16xi32>], vector<16xf32>,
        %parallel_loop3A_131 = arith.constant 3 : i32
        %parallel_loop3A_132 = arith.index_cast %parallel_loop3A_131 : i32 to index
        %parallel_loop3A_133 = arith.index_cast %parallel_loop3A_97 : i32 to index
        %parallel_loop3A_134 = arith.constant 0 : index
        %parallel_loop3A_135 = tpu.vector_load %arg8[%parallel_loop3A_132, %parallel_loop3A_133, %parallel_loop3A_134] {strides = array<i32>} : memref<4x64x64xf32, #tpu.memory_space<vmem>>, vector<16xf32>,
        tpu.vector_store %arg8[%parallel_loop3A_132, %parallel_loop3A_133, %parallel_loop3A_134], %parallel_loop3A_130 {strides = array<i32>} : memref<4x64x64xf32, #tpu.memory_space<vmem>>, vector<16xf32>,
        %parallel_loop3A_136 = arith.constant 64 : i32
        %parallel_loop3A_137 = arith.muli %parallel_loop3A_97, %parallel_loop3A_136 : i32
        %parallel_loop3A_138 = arith.constant 16 : i32
        %parallel_loop3A_139 = arith.addi %parallel_loop3A_137, %parallel_loop3A_138 : i32
        %parallel_loop3A_140 = arith.index_cast %parallel_loop3A_139 : i32 to index
        %parallel_loop3A_141 = tpu.vector_load %arg5[%parallel_loop3A_140] {strides = array<i32>} : memref<4096xi32, #tpu.memory_space<vmem>>, vector<16xi32>,
        %parallel_loop3A_142 = arith.constant 0 : i32
        %parallel_loop3A_143 = vector.broadcast %parallel_loop3A_142 : i32 to vector<16xi32>
        %parallel_loop3A_144 = tpu.vector_load_idx %arg6[%parallel_loop3A_143, %parallel_loop3A_141] : memref<4x2080xf32, #tpu.memory_space<vmem>>[vector<16xi32>, vector<16xi32>], vector<16xf32>,
        %parallel_loop3A_145 = arith.constant 0 : i32
        %parallel_loop3A_146 = arith.index_cast %parallel_loop3A_145 : i32 to index
        %parallel_loop3A_147 = arith.index_cast %parallel_loop3A_97 : i32 to index
        %parallel_loop3A_148 = arith.constant 16 : index
        %parallel_loop3A_149 = tpu.vector_load %arg8[%parallel_loop3A_146, %parallel_loop3A_147, %parallel_loop3A_148] {strides = array<i32>} : memref<4x64x64xf32, #tpu.memory_space<vmem>>, vector<16xf32>,
        tpu.vector_store %arg8[%parallel_loop3A_146, %parallel_loop3A_147, %parallel_loop3A_148], %parallel_loop3A_144 {strides = array<i32>} : memref<4x64x64xf32, #tpu.memory_space<vmem>>, vector<16xf32>,
        %parallel_loop3A_150 = arith.constant 1 : i32
        %parallel_loop3A_151 = vector.broadcast %parallel_loop3A_150 : i32 to vector<16xi32>
        %parallel_loop3A_152 = tpu.vector_load_idx %arg6[%parallel_loop3A_151, %parallel_loop3A_141] : memref<4x2080xf32, #tpu.memory_space<vmem>>[vector<16xi32>, vector<16xi32>], vector<16xf32>,
        %parallel_loop3A_153 = arith.constant 1 : i32
        %parallel_loop3A_154 = arith.index_cast %parallel_loop3A_153 : i32 to index
        %parallel_loop3A_155 = arith.index_cast %parallel_loop3A_97 : i32 to index
        %parallel_loop3A_156 = arith.constant 16 : index
        %parallel_loop3A_157 = tpu.vector_load %arg8[%parallel_loop3A_154, %parallel_loop3A_155, %parallel_loop3A_156] {strides = array<i32>} : memref<4x64x64xf32, #tpu.memory_space<vmem>>, vector<16xf32>,
        tpu.vector_store %arg8[%parallel_loop3A_154, %parallel_loop3A_155, %parallel_loop3A_156], %parallel_loop3A_152 {strides = array<i32>} : memref<4x64x64xf32, #tpu.memory_space<vmem>>, vector<16xf32>,
        %parallel_loop3A_158 = arith.constant 2 : i32
        %parallel_loop3A_159 = vector.broadcast %parallel_loop3A_158 : i32 to vector<16xi32>
        %parallel_loop3A_160 = tpu.vector_load_idx %arg6[%parallel_loop3A_159, %parallel_loop3A_141] : memref<4x2080xf32, #tpu.memory_space<vmem>>[vector<16xi32>, vector<16xi32>], vector<16xf32>,
        %parallel_loop3A_161 = arith.constant 2 : i32
        %parallel_loop3A_162 = arith.index_cast %parallel_loop3A_161 : i32 to index
        %parallel_loop3A_163 = arith.index_cast %parallel_loop3A_97 : i32 to index
        %parallel_loop3A_164 = arith.constant 16 : index
        %parallel_loop3A_165 = tpu.vector_load %arg8[%parallel_loop3A_162, %parallel_loop3A_163, %parallel_loop3A_164] {strides = array<i32>} : memref<4x64x64xf32, #tpu.memory_space<vmem>>, vector<16xf32>,
        tpu.vector_store %arg8[%parallel_loop3A_162, %parallel_loop3A_163, %parallel_loop3A_164], %parallel_loop3A_160 {strides = array<i32>} : memref<4x64x64xf32, #tpu.memory_space<vmem>>, vector<16xf32>,
        %parallel_loop3A_166 = arith.constant 3 : i32
        %parallel_loop3A_167 = vector.broadcast %parallel_loop3A_166 : i32 to vector<16xi32>
        %parallel_loop3A_168 = tpu.vector_load_idx %arg6[%parallel_loop3A_167, %parallel_loop3A_141] : memref<4x2080xf32, #tpu.memory_space<vmem>>[vector<16xi32>, vector<16xi32>], vector<16xf32>,
        %parallel_loop3A_169 = arith.constant 3 : i32
        %parallel_loop3A_170 = arith.index_cast %parallel_loop3A_169 : i32 to index
        %parallel_loop3A_171 = arith.index_cast %parallel_loop3A_97 : i32 to index
        %parallel_loop3A_172 = arith.constant 16 : index
        %parallel_loop3A_173 = tpu.vector_load %arg8[%parallel_loop3A_170, %parallel_loop3A_171, %parallel_loop3A_172] {strides = array<i32>} : memref<4x64x64xf32, #tpu.memory_space<vmem>>, vector<16xf32>,
        tpu.vector_store %arg8[%parallel_loop3A_170, %parallel_loop3A_171, %parallel_loop3A_172], %parallel_loop3A_168 {strides = array<i32>} : memref<4x64x64xf32, #tpu.memory_space<vmem>>, vector<16xf32>,
        %parallel_loop3A_174 = arith.constant 64 : i32
        %parallel_loop3A_175 = arith.muli %parallel_loop3A_97, %parallel_loop3A_174 : i32
        %parallel_loop3A_176 = arith.constant 32 : i32
        %parallel_loop3A_177 = arith.addi %parallel_loop3A_175, %parallel_loop3A_176 : i32
        %parallel_loop3A_178 = arith.index_cast %parallel_loop3A_177 : i32 to index
        %parallel_loop3A_179 = tpu.vector_load %arg5[%parallel_loop3A_178] {strides = array<i32>} : memref<4096xi32, #tpu.memory_space<vmem>>, vector<16xi32>,
        %parallel_loop3A_180 = arith.constant 0 : i32
        %parallel_loop3A_181 = vector.broadcast %parallel_loop3A_180 : i32 to vector<16xi32>
        %parallel_loop3A_182 = tpu.vector_load_idx %arg6[%parallel_loop3A_181, %parallel_loop3A_179] : memref<4x2080xf32, #tpu.memory_space<vmem>>[vector<16xi32>, vector<16xi32>], vector<16xf32>,
        %parallel_loop3A_183 = arith.constant 0 : i32
        %parallel_loop3A_184 = arith.index_cast %parallel_loop3A_183 : i32 to index
        %parallel_loop3A_185 = arith.index_cast %parallel_loop3A_97 : i32 to index
        %parallel_loop3A_186 = arith.constant 32 : index
        %parallel_loop3A_187 = tpu.vector_load %arg8[%parallel_loop3A_184, %parallel_loop3A_185, %parallel_loop3A_186] {strides = array<i32>} : memref<4x64x64xf32, #tpu.memory_space<vmem>>, vector<16xf32>,
        tpu.vector_store %arg8[%parallel_loop3A_184, %parallel_loop3A_185, %parallel_loop3A_186], %parallel_loop3A_182 {strides = array<i32>} : memref<4x64x64xf32, #tpu.memory_space<vmem>>, vector<16xf32>,
        %parallel_loop3A_188 = arith.constant 1 : i32
        %parallel_loop3A_189 = vector.broadcast %parallel_loop3A_188 : i32 to vector<16xi32>
        %parallel_loop3A_190 = tpu.vector_load_idx %arg6[%parallel_loop3A_189, %parallel_loop3A_179] : memref<4x2080xf32, #tpu.memory_space<vmem>>[vector<16xi32>, vector<16xi32>], vector<16xf32>,
        %parallel_loop3A_191 = arith.constant 1 : i32
        %parallel_loop3A_192 = arith.index_cast %parallel_loop3A_191 : i32 to index
        %parallel_loop3A_193 = arith.index_cast %parallel_loop3A_97 : i32 to index
        %parallel_loop3A_194 = arith.constant 32 : index
        %parallel_loop3A_195 = tpu.vector_load %arg8[%parallel_loop3A_192, %parallel_loop3A_193, %parallel_loop3A_194] {strides = array<i32>} : memref<4x64x64xf32, #tpu.memory_space<vmem>>, vector<16xf32>,
        tpu.vector_store %arg8[%parallel_loop3A_192, %parallel_loop3A_193, %parallel_loop3A_194], %parallel_loop3A_190 {strides = array<i32>} : memref<4x64x64xf32, #tpu.memory_space<vmem>>, vector<16xf32>,
        %parallel_loop3A_196 = arith.constant 2 : i32
        %parallel_loop3A_197 = vector.broadcast %parallel_loop3A_196 : i32 to vector<16xi32>
        %parallel_loop3A_198 = tpu.vector_load_idx %arg6[%parallel_loop3A_197, %parallel_loop3A_179] : memref<4x2080xf32, #tpu.memory_space<vmem>>[vector<16xi32>, vector<16xi32>], vector<16xf32>,
        %parallel_loop3A_199 = arith.constant 2 : i32
        %parallel_loop3A_200 = arith.index_cast %parallel_loop3A_199 : i32 to index
        %parallel_loop3A_201 = arith.index_cast %parallel_loop3A_97 : i32 to index
        %parallel_loop3A_202 = arith.constant 32 : index
        %parallel_loop3A_203 = tpu.vector_load %arg8[%parallel_loop3A_200, %parallel_loop3A_201, %parallel_loop3A_202] {strides = array<i32>} : memref<4x64x64xf32, #tpu.memory_space<vmem>>, vector<16xf32>,
        tpu.vector_store %arg8[%parallel_loop3A_200, %parallel_loop3A_201, %parallel_loop3A_202], %parallel_loop3A_198 {strides = array<i32>} : memref<4x64x64xf32, #tpu.memory_space<vmem>>, vector<16xf32>,
        %parallel_loop3A_204 = arith.constant 3 : i32
        %parallel_loop3A_205 = vector.broadcast %parallel_loop3A_204 : i32 to vector<16xi32>
        %parallel_loop3A_206 = tpu.vector_load_idx %arg6[%parallel_loop3A_205, %parallel_loop3A_179] : memref<4x2080xf32, #tpu.memory_space<vmem>>[vector<16xi32>, vector<16xi32>], vector<16xf32>,
        %parallel_loop3A_207 = arith.constant 3 : i32
        %parallel_loop3A_208 = arith.index_cast %parallel_loop3A_207 : i32 to index
        %parallel_loop3A_209 = arith.index_cast %parallel_loop3A_97 : i32 to index
        %parallel_loop3A_210 = arith.constant 32 : index
        %parallel_loop3A_211 = tpu.vector_load %arg8[%parallel_loop3A_208, %parallel_loop3A_209, %parallel_loop3A_210] {strides = array<i32>} : memref<4x64x64xf32, #tpu.memory_space<vmem>>, vector<16xf32>,
        tpu.vector_store %arg8[%parallel_loop3A_208, %parallel_loop3A_209, %parallel_loop3A_210], %parallel_loop3A_206 {strides = array<i32>} : memref<4x64x64xf32, #tpu.memory_space<vmem>>, vector<16xf32>,
        %parallel_loop3A_212 = arith.constant 64 : i32
        %parallel_loop3A_213 = arith.muli %parallel_loop3A_97, %parallel_loop3A_212 : i32
        %parallel_loop3A_214 = arith.constant 48 : i32
        %parallel_loop3A_215 = arith.addi %parallel_loop3A_213, %parallel_loop3A_214 : i32
        %parallel_loop3A_216 = arith.index_cast %parallel_loop3A_215 : i32 to index
        %parallel_loop3A_217 = tpu.vector_load %arg5[%parallel_loop3A_216] {strides = array<i32>} : memref<4096xi32, #tpu.memory_space<vmem>>, vector<16xi32>,
        %parallel_loop3A_218 = arith.constant 0 : i32
        %parallel_loop3A_219 = vector.broadcast %parallel_loop3A_218 : i32 to vector<16xi32>
        %parallel_loop3A_220 = tpu.vector_load_idx %arg6[%parallel_loop3A_219, %parallel_loop3A_217] : memref<4x2080xf32, #tpu.memory_space<vmem>>[vector<16xi32>, vector<16xi32>], vector<16xf32>,
        %parallel_loop3A_221 = arith.constant 0 : i32
        %parallel_loop3A_222 = arith.index_cast %parallel_loop3A_221 : i32 to index
        %parallel_loop3A_223 = arith.index_cast %parallel_loop3A_97 : i32 to index
        %parallel_loop3A_224 = arith.constant 48 : index
        %parallel_loop3A_225 = tpu.vector_load %arg8[%parallel_loop3A_222, %parallel_loop3A_223, %parallel_loop3A_224] {strides = array<i32>} : memref<4x64x64xf32, #tpu.memory_space<vmem>>, vector<16xf32>,
        tpu.vector_store %arg8[%parallel_loop3A_222, %parallel_loop3A_223, %parallel_loop3A_224], %parallel_loop3A_220 {strides = array<i32>} : memref<4x64x64xf32, #tpu.memory_space<vmem>>, vector<16xf32>,
        %parallel_loop3A_226 = arith.constant 1 : i32
        %parallel_loop3A_227 = vector.broadcast %parallel_loop3A_226 : i32 to vector<16xi32>
        %parallel_loop3A_228 = tpu.vector_load_idx %arg6[%parallel_loop3A_227, %parallel_loop3A_217] : memref<4x2080xf32, #tpu.memory_space<vmem>>[vector<16xi32>, vector<16xi32>], vector<16xf32>,
        %parallel_loop3A_229 = arith.constant 1 : i32
        %parallel_loop3A_230 = arith.index_cast %parallel_loop3A_229 : i32 to index
        %parallel_loop3A_231 = arith.index_cast %parallel_loop3A_97 : i32 to index
        %parallel_loop3A_232 = arith.constant 48 : index
        %parallel_loop3A_233 = tpu.vector_load %arg8[%parallel_loop3A_230, %parallel_loop3A_231, %parallel_loop3A_232] {strides = array<i32>} : memref<4x64x64xf32, #tpu.memory_space<vmem>>, vector<16xf32>,
        tpu.vector_store %arg8[%parallel_loop3A_230, %parallel_loop3A_231, %parallel_loop3A_232], %parallel_loop3A_228 {strides = array<i32>} : memref<4x64x64xf32, #tpu.memory_space<vmem>>, vector<16xf32>,
        %parallel_loop3A_234 = arith.constant 2 : i32
        %parallel_loop3A_235 = vector.broadcast %parallel_loop3A_234 : i32 to vector<16xi32>
        %parallel_loop3A_236 = tpu.vector_load_idx %arg6[%parallel_loop3A_235, %parallel_loop3A_217] : memref<4x2080xf32, #tpu.memory_space<vmem>>[vector<16xi32>, vector<16xi32>], vector<16xf32>,
        %parallel_loop3A_237 = arith.constant 2 : i32
        %parallel_loop3A_238 = arith.index_cast %parallel_loop3A_237 : i32 to index
        %parallel_loop3A_239 = arith.index_cast %parallel_loop3A_97 : i32 to index
        %parallel_loop3A_240 = arith.constant 48 : index
        %parallel_loop3A_241 = tpu.vector_load %arg8[%parallel_loop3A_238, %parallel_loop3A_239, %parallel_loop3A_240] {strides = array<i32>} : memref<4x64x64xf32, #tpu.memory_space<vmem>>, vector<16xf32>,
        tpu.vector_store %arg8[%parallel_loop3A_238, %parallel_loop3A_239, %parallel_loop3A_240], %parallel_loop3A_236 {strides = array<i32>} : memref<4x64x64xf32, #tpu.memory_space<vmem>>, vector<16xf32>,
        %parallel_loop3A_242 = arith.constant 3 : i32
        %parallel_loop3A_243 = vector.broadcast %parallel_loop3A_242 : i32 to vector<16xi32>
        %parallel_loop3A_244 = tpu.vector_load_idx %arg6[%parallel_loop3A_243, %parallel_loop3A_217] : memref<4x2080xf32, #tpu.memory_space<vmem>>[vector<16xi32>, vector<16xi32>], vector<16xf32>,
        %parallel_loop3A_245 = arith.constant 3 : i32
        %parallel_loop3A_246 = arith.index_cast %parallel_loop3A_245 : i32 to index
        %parallel_loop3A_247 = arith.index_cast %parallel_loop3A_97 : i32 to index
        %parallel_loop3A_248 = arith.constant 48 : index
        %parallel_loop3A_249 = tpu.vector_load %arg8[%parallel_loop3A_246, %parallel_loop3A_247, %parallel_loop3A_248] {strides = array<i32>} : memref<4x64x64xf32, #tpu.memory_space<vmem>>, vector<16xf32>,
        tpu.vector_store %arg8[%parallel_loop3A_246, %parallel_loop3A_247, %parallel_loop3A_248], %parallel_loop3A_244 {strides = array<i32>} : memref<4x64x64xf32, #tpu.memory_space<vmem>>, vector<16xf32>,
      } {sc.loop_unroll_factor = 2 : i64, sc.parallel_access}
      %mul3A_50 = arith.constant 4 : i32
      %mul3A_51 = arith.muli %add3A_39, %mul3A_50 : i32
      %add3A_52 = arith.addi %mul3A_2, %mul3A_51 : i32
      %dma_start3A_53 = arith.constant 0 : i32
      %dma_start3A_54 = arith.constant 0 : i32
      %dma_start3A_55 = tpu.memref_slice %arg4[%add3A_52, %dma_start3A_53, %dma_start3A_54] : memref<8192x64x64xf32, #tpu.memory_space<hbm>> -> memref<4x64x64xf32, #tpu.memory_space<hbm>>
      %dma_start3A_56 = arith.constant 0 : i32
      %dma_start3A_57 = arith.constant 0 : i32
      %dma_start3A_58 = tpu.memref_slice %arg4[%add3A_52, %dma_start3A_56, %dma_start3A_57] : memref<8192x64x64xf32, #tpu.memory_space<hbm>> -> memref<4x64x64xf32, #tpu.memory_space<hbm>>
      tpu.enqueue_dma source(%arg8 : memref<4x64x64xf32, #tpu.memory_space<vmem>>) target(%dma_start3A_58 : memref<4x64x64xf32, #tpu.memory_space<hbm>>) target_semaphore(%arg12 : memref<!tpu.dma_semaphore, #tpu.memory_space<semaphore_mem>>)
      %add3A_59 = arith.constant 2 : i32
      %add3A_60 = arith.addi %add3A_39, %add3A_59 : i32
      %lt3A = arith.constant 64 : i32
      %lt3A_61 = arith.cmpi slt, %add3A_60, %lt3A : i32
      %convert_element_type3A_62 = arith.extui %lt3A_61 : i1 to i32
      %cond3A_63 = arith.constant 0 : i32
      %cond3A_64 = arith.cmpi ne, %convert_element_type3A_62, %cond3A_63 : i32
      scf.if %cond3A_64 {
        %add3A_97 = arith.constant 2 : i32
        %add3A_98 = arith.addi %add3A_39, %add3A_97 : i32
        %mul3A_99 = arith.constant 4 : i32
        %mul3A_100 = arith.muli %add3A_98, %mul3A_99 : i32
        %add3A_101 = arith.addi %mul3A_2, %mul3A_100 : i32
        %dma_start3A_102 = arith.constant 0 : i32
        %dma_start3A_103 = tpu.memref_slice %arg2[%add3A_101, %dma_start3A_102] : memref<8192x2080xf32, #tpu.memory_space<hbm>> -> memref<4x2080xf32, #tpu.memory_space<hbm>>
        %dma_start3A_104 = arith.constant 0 : i32
        %dma_start3A_105 = tpu.memref_slice %arg2[%add3A_101, %dma_start3A_104] : memref<8192x2080xf32, #tpu.memory_space<hbm>> -> memref<4x2080xf32, #tpu.memory_space<hbm>>
        tpu.enqueue_dma source(%dma_start3A_105 : memref<4x2080xf32, #tpu.memory_space<hbm>>) target(%arg6 : memref<4x2080xf32, #tpu.memory_space<vmem>>) target_semaphore(%arg10 : memref<!tpu.dma_semaphore, #tpu.memory_space<semaphore_mem>>)
      } else {
      }
      %add3A_65 = arith.constant 1 : i32
      %add3A_66 = arith.addi %add3A_37, %add3A_65 : i32
      %dma_wait3A_67 = arith.constant 0 : i32
      %dma_wait3A_68 = arith.constant 0 : i32
      %dma_wait3A_69 = tpu.memref_slice %arg2[%dma_wait3A_67, %dma_wait3A_68] : memref<8192x2080xf32, #tpu.memory_space<hbm>> -> memref<4x2080xf32, #tpu.memory_space<hbm>>
      %dma_wait3A_70 = arith.constant 0 : i32
      %dma_wait3A_71 = arith.constant 0 : i32
      %dma_wait3A_72 = tpu.memref_slice %arg2[%dma_wait3A_70, %dma_wait3A_71] : memref<8192x2080xf32, #tpu.memory_space<hbm>> -> memref<4x2080xf32, #tpu.memory_space<hbm>>
      tpu.wait_dma2 semaphore(%arg11 : memref<!tpu.dma_semaphore, #tpu.memory_space<semaphore_mem>>) src(%dma_wait3A_72 : memref<4x2080xf32, #tpu.memory_space<hbm>>) dst(%arg7 : memref<4x2080xf32, #tpu.memory_space<vmem>>)
      %ge3A_73 = arith.constant 2 : i32
      %ge3A_74 = arith.cmpi sge, %add3A_66, %ge3A_73 : i32
      %convert_element_type3A_75 = arith.extui %ge3A_74 : i1 to i32
      %cond3A_76 = arith.constant 0 : i32
      %cond3A_77 = arith.cmpi ne, %convert_element_type3A_75, %cond3A_76 : i32
      scf.if %cond3A_77 {
        %dma_wait3A_97 = arith.constant 0 : i32
        %dma_wait3A_98 = arith.constant 0 : i32
        %dma_wait3A_99 = arith.constant 0 : i32
        %dma_wait3A_100 = tpu.memref_slice %arg4[%dma_wait3A_97, %dma_wait3A_98, %dma_wait3A_99] : memref<8192x64x64xf32, #tpu.memory_space<hbm>> -> memref<4x64x64xf32, #tpu.memory_space<hbm>>
        %dma_wait3A_101 = arith.constant 0 : i32
        %dma_wait3A_102 = arith.constant 0 : i32
        %dma_wait3A_103 = arith.constant 0 : i32
        %dma_wait3A_104 = tpu.memref_slice %arg4[%dma_wait3A_101, %dma_wait3A_102, %dma_wait3A_103] : memref<8192x64x64xf32, #tpu.memory_space<hbm>> -> memref<4x64x64xf32, #tpu.memory_space<hbm>>
        tpu.wait_dma2 semaphore(%arg13 : memref<!tpu.dma_semaphore, #tpu.memory_space<semaphore_mem>>) src(%arg9 : memref<4x64x64xf32, #tpu.memory_space<vmem>>) dst(%dma_wait3A_104 : memref<4x64x64xf32, #tpu.memory_space<hbm>>)
      } else {
      }
      %parallel_loop3A_78 = arith.constant 0 : i32
      %parallel_loop3A_79 = arith.constant 64 : i32
      %parallel_loop3A_80 = arith.constant 1 : i32
      scf.for %parallel_loop3A_97 = %parallel_loop3A_78 to %parallel_loop3A_79 step %parallel_loop3A_80  : i32 {
        %parallel_loop3A_98 = arith.constant 64 : i32
        %parallel_loop3A_99 = arith.muli %parallel_loop3A_97, %parallel_loop3A_98 : i32
        %parallel_loop3A_100 = arith.constant 0 : i32
        %parallel_loop3A_101 = arith.addi %parallel_loop3A_99, %parallel_loop3A_100 : i32
        %parallel_loop3A_102 = arith.index_cast %parallel_loop3A_101 : i32 to index
        %parallel_loop3A_103 = tpu.vector_load %arg5[%parallel_loop3A_102] {strides = array<i32>} : memref<4096xi32, #tpu.memory_space<vmem>>, vector<16xi32>,
        %parallel_loop3A_104 = arith.constant 0 : i32
        %parallel_loop3A_105 = vector.broadcast %parallel_loop3A_104 : i32 to vector<16xi32>
        %parallel_loop3A_106 = tpu.vector_load_idx %arg7[%parallel_loop3A_105, %parallel_loop3A_103] : memref<4x2080xf32, #tpu.memory_space<vmem>>[vector<16xi32>, vector<16xi32>], vector<16xf32>,
        %parallel_loop3A_107 = arith.constant 0 : i32
        %parallel_loop3A_108 = arith.index_cast %parallel_loop3A_107 : i32 to index
        %parallel_loop3A_109 = arith.index_cast %parallel_loop3A_97 : i32 to index
        %parallel_loop3A_110 = arith.constant 0 : index
        %parallel_loop3A_111 = tpu.vector_load %arg9[%parallel_loop3A_108, %parallel_loop3A_109, %parallel_loop3A_110] {strides = array<i32>} : memref<4x64x64xf32, #tpu.memory_space<vmem>>, vector<16xf32>,
        tpu.vector_store %arg9[%parallel_loop3A_108, %parallel_loop3A_109, %parallel_loop3A_110], %parallel_loop3A_106 {strides = array<i32>} : memref<4x64x64xf32, #tpu.memory_space<vmem>>, vector<16xf32>,
        %parallel_loop3A_112 = arith.constant 1 : i32
        %parallel_loop3A_113 = vector.broadcast %parallel_loop3A_112 : i32 to vector<16xi32>
        %parallel_loop3A_114 = tpu.vector_load_idx %arg7[%parallel_loop3A_113, %parallel_loop3A_103] : memref<4x2080xf32, #tpu.memory_space<vmem>>[vector<16xi32>, vector<16xi32>], vector<16xf32>,
        %parallel_loop3A_115 = arith.constant 1 : i32
        %parallel_loop3A_116 = arith.index_cast %parallel_loop3A_115 : i32 to index
        %parallel_loop3A_117 = arith.index_cast %parallel_loop3A_97 : i32 to index
        %parallel_loop3A_118 = arith.constant 0 : index
        %parallel_loop3A_119 = tpu.vector_load %arg9[%parallel_loop3A_116, %parallel_loop3A_117, %parallel_loop3A_118] {strides = array<i32>} : memref<4x64x64xf32, #tpu.memory_space<vmem>>, vector<16xf32>,
        tpu.vector_store %arg9[%parallel_loop3A_116, %parallel_loop3A_117, %parallel_loop3A_118], %parallel_loop3A_114 {strides = array<i32>} : memref<4x64x64xf32, #tpu.memory_space<vmem>>, vector<16xf32>,
        %parallel_loop3A_120 = arith.constant 2 : i32
        %parallel_loop3A_121 = vector.broadcast %parallel_loop3A_120 : i32 to vector<16xi32>
        %parallel_loop3A_122 = tpu.vector_load_idx %arg7[%parallel_loop3A_121, %parallel_loop3A_103] : memref<4x2080xf32, #tpu.memory_space<vmem>>[vector<16xi32>, vector<16xi32>], vector<16xf32>,
        %parallel_loop3A_123 = arith.constant 2 : i32
        %parallel_loop3A_124 = arith.index_cast %parallel_loop3A_123 : i32 to index
        %parallel_loop3A_125 = arith.index_cast %parallel_loop3A_97 : i32 to index
        %parallel_loop3A_126 = arith.constant 0 : index
        %parallel_loop3A_127 = tpu.vector_load %arg9[%parallel_loop3A_124, %parallel_loop3A_125, %parallel_loop3A_126] {strides = array<i32>} : memref<4x64x64xf32, #tpu.memory_space<vmem>>, vector<16xf32>,
        tpu.vector_store %arg9[%parallel_loop3A_124, %parallel_loop3A_125, %parallel_loop3A_126], %parallel_loop3A_122 {strides = array<i32>} : memref<4x64x64xf32, #tpu.memory_space<vmem>>, vector<16xf32>,
        %parallel_loop3A_128 = arith.constant 3 : i32
        %parallel_loop3A_129 = vector.broadcast %parallel_loop3A_128 : i32 to vector<16xi32>
        %parallel_loop3A_130 = tpu.vector_load_idx %arg7[%parallel_loop3A_129, %parallel_loop3A_103] : memref<4x2080xf32, #tpu.memory_space<vmem>>[vector<16xi32>, vector<16xi32>], vector<16xf32>,
        %parallel_loop3A_131 = arith.constant 3 : i32
        %parallel_loop3A_132 = arith.index_cast %parallel_loop3A_131 : i32 to index
        %parallel_loop3A_133 = arith.index_cast %parallel_loop3A_97 : i32 to index
        %parallel_loop3A_134 = arith.constant 0 : index
        %parallel_loop3A_135 = tpu.vector_load %arg9[%parallel_loop3A_132, %parallel_loop3A_133, %parallel_loop3A_134] {strides = array<i32>} : memref<4x64x64xf32, #tpu.memory_space<vmem>>, vector<16xf32>,
        tpu.vector_store %arg9[%parallel_loop3A_132, %parallel_loop3A_133, %parallel_loop3A_134], %parallel_loop3A_130 {strides = array<i32>} : memref<4x64x64xf32, #tpu.memory_space<vmem>>, vector<16xf32>,
        %parallel_loop3A_136 = arith.constant 64 : i32
        %parallel_loop3A_137 = arith.muli %parallel_loop3A_97, %parallel_loop3A_136 : i32
        %parallel_loop3A_138 = arith.constant 16 : i32
        %parallel_loop3A_139 = arith.addi %parallel_loop3A_137, %parallel_loop3A_138 : i32
        %parallel_loop3A_140 = arith.index_cast %parallel_loop3A_139 : i32 to index
        %parallel_loop3A_141 = tpu.vector_load %arg5[%parallel_loop3A_140] {strides = array<i32>} : memref<4096xi32, #tpu.memory_space<vmem>>, vector<16xi32>,
        %parallel_loop3A_142 = arith.constant 0 : i32
        %parallel_loop3A_143 = vector.broadcast %parallel_loop3A_142 : i32 to vector<16xi32>
        %parallel_loop3A_144 = tpu.vector_load_idx %arg7[%parallel_loop3A_143, %parallel_loop3A_141] : memref<4x2080xf32, #tpu.memory_space<vmem>>[vector<16xi32>, vector<16xi32>], vector<16xf32>,
        %parallel_loop3A_145 = arith.constant 0 : i32
        %parallel_loop3A_146 = arith.index_cast %parallel_loop3A_145 : i32 to index
        %parallel_loop3A_147 = arith.index_cast %parallel_loop3A_97 : i32 to index
        %parallel_loop3A_148 = arith.constant 16 : index
        %parallel_loop3A_149 = tpu.vector_load %arg9[%parallel_loop3A_146, %parallel_loop3A_147, %parallel_loop3A_148] {strides = array<i32>} : memref<4x64x64xf32, #tpu.memory_space<vmem>>, vector<16xf32>,
        tpu.vector_store %arg9[%parallel_loop3A_146, %parallel_loop3A_147, %parallel_loop3A_148], %parallel_loop3A_144 {strides = array<i32>} : memref<4x64x64xf32, #tpu.memory_space<vmem>>, vector<16xf32>,
        %parallel_loop3A_150 = arith.constant 1 : i32
        %parallel_loop3A_151 = vector.broadcast %parallel_loop3A_150 : i32 to vector<16xi32>
        %parallel_loop3A_152 = tpu.vector_load_idx %arg7[%parallel_loop3A_151, %parallel_loop3A_141] : memref<4x2080xf32, #tpu.memory_space<vmem>>[vector<16xi32>, vector<16xi32>], vector<16xf32>,
        %parallel_loop3A_153 = arith.constant 1 : i32
        %parallel_loop3A_154 = arith.index_cast %parallel_loop3A_153 : i32 to index
        %parallel_loop3A_155 = arith.index_cast %parallel_loop3A_97 : i32 to index
        %parallel_loop3A_156 = arith.constant 16 : index
        %parallel_loop3A_157 = tpu.vector_load %arg9[%parallel_loop3A_154, %parallel_loop3A_155, %parallel_loop3A_156] {strides = array<i32>} : memref<4x64x64xf32, #tpu.memory_space<vmem>>, vector<16xf32>,
        tpu.vector_store %arg9[%parallel_loop3A_154, %parallel_loop3A_155, %parallel_loop3A_156], %parallel_loop3A_152 {strides = array<i32>} : memref<4x64x64xf32, #tpu.memory_space<vmem>>, vector<16xf32>,
        %parallel_loop3A_158 = arith.constant 2 : i32
        %parallel_loop3A_159 = vector.broadcast %parallel_loop3A_158 : i32 to vector<16xi32>
        %parallel_loop3A_160 = tpu.vector_load_idx %arg7[%parallel_loop3A_159, %parallel_loop3A_141] : memref<4x2080xf32, #tpu.memory_space<vmem>>[vector<16xi32>, vector<16xi32>], vector<16xf32>,
        %parallel_loop3A_161 = arith.constant 2 : i32
        %parallel_loop3A_162 = arith.index_cast %parallel_loop3A_161 : i32 to index
        %parallel_loop3A_163 = arith.index_cast %parallel_loop3A_97 : i32 to index
        %parallel_loop3A_164 = arith.constant 16 : index
        %parallel_loop3A_165 = tpu.vector_load %arg9[%parallel_loop3A_162, %parallel_loop3A_163, %parallel_loop3A_164] {strides = array<i32>} : memref<4x64x64xf32, #tpu.memory_space<vmem>>, vector<16xf32>,
        tpu.vector_store %arg9[%parallel_loop3A_162, %parallel_loop3A_163, %parallel_loop3A_164], %parallel_loop3A_160 {strides = array<i32>} : memref<4x64x64xf32, #tpu.memory_space<vmem>>, vector<16xf32>,
        %parallel_loop3A_166 = arith.constant 3 : i32
        %parallel_loop3A_167 = vector.broadcast %parallel_loop3A_166 : i32 to vector<16xi32>
        %parallel_loop3A_168 = tpu.vector_load_idx %arg7[%parallel_loop3A_167, %parallel_loop3A_141] : memref<4x2080xf32, #tpu.memory_space<vmem>>[vector<16xi32>, vector<16xi32>], vector<16xf32>,
        %parallel_loop3A_169 = arith.constant 3 : i32
        %parallel_loop3A_170 = arith.index_cast %parallel_loop3A_169 : i32 to index
        %parallel_loop3A_171 = arith.index_cast %parallel_loop3A_97 : i32 to index
        %parallel_loop3A_172 = arith.constant 16 : index
        %parallel_loop3A_173 = tpu.vector_load %arg9[%parallel_loop3A_170, %parallel_loop3A_171, %parallel_loop3A_172] {strides = array<i32>} : memref<4x64x64xf32, #tpu.memory_space<vmem>>, vector<16xf32>,
        tpu.vector_store %arg9[%parallel_loop3A_170, %parallel_loop3A_171, %parallel_loop3A_172], %parallel_loop3A_168 {strides = array<i32>} : memref<4x64x64xf32, #tpu.memory_space<vmem>>, vector<16xf32>,
        %parallel_loop3A_174 = arith.constant 64 : i32
        %parallel_loop3A_175 = arith.muli %parallel_loop3A_97, %parallel_loop3A_174 : i32
        %parallel_loop3A_176 = arith.constant 32 : i32
        %parallel_loop3A_177 = arith.addi %parallel_loop3A_175, %parallel_loop3A_176 : i32
        %parallel_loop3A_178 = arith.index_cast %parallel_loop3A_177 : i32 to index
        %parallel_loop3A_179 = tpu.vector_load %arg5[%parallel_loop3A_178] {strides = array<i32>} : memref<4096xi32, #tpu.memory_space<vmem>>, vector<16xi32>,
        %parallel_loop3A_180 = arith.constant 0 : i32
        %parallel_loop3A_181 = vector.broadcast %parallel_loop3A_180 : i32 to vector<16xi32>
        %parallel_loop3A_182 = tpu.vector_load_idx %arg7[%parallel_loop3A_181, %parallel_loop3A_179] : memref<4x2080xf32, #tpu.memory_space<vmem>>[vector<16xi32>, vector<16xi32>], vector<16xf32>,
        %parallel_loop3A_183 = arith.constant 0 : i32
        %parallel_loop3A_184 = arith.index_cast %parallel_loop3A_183 : i32 to index
        %parallel_loop3A_185 = arith.index_cast %parallel_loop3A_97 : i32 to index
        %parallel_loop3A_186 = arith.constant 32 : index
        %parallel_loop3A_187 = tpu.vector_load %arg9[%parallel_loop3A_184, %parallel_loop3A_185, %parallel_loop3A_186] {strides = array<i32>} : memref<4x64x64xf32, #tpu.memory_space<vmem>>, vector<16xf32>,
        tpu.vector_store %arg9[%parallel_loop3A_184, %parallel_loop3A_185, %parallel_loop3A_186], %parallel_loop3A_182 {strides = array<i32>} : memref<4x64x64xf32, #tpu.memory_space<vmem>>, vector<16xf32>,
        %parallel_loop3A_188 = arith.constant 1 : i32
        %parallel_loop3A_189 = vector.broadcast %parallel_loop3A_188 : i32 to vector<16xi32>
        %parallel_loop3A_190 = tpu.vector_load_idx %arg7[%parallel_loop3A_189, %parallel_loop3A_179] : memref<4x2080xf32, #tpu.memory_space<vmem>>[vector<16xi32>, vector<16xi32>], vector<16xf32>,
        %parallel_loop3A_191 = arith.constant 1 : i32
        %parallel_loop3A_192 = arith.index_cast %parallel_loop3A_191 : i32 to index
        %parallel_loop3A_193 = arith.index_cast %parallel_loop3A_97 : i32 to index
        %parallel_loop3A_194 = arith.constant 32 : index
        %parallel_loop3A_195 = tpu.vector_load %arg9[%parallel_loop3A_192, %parallel_loop3A_193, %parallel_loop3A_194] {strides = array<i32>} : memref<4x64x64xf32, #tpu.memory_space<vmem>>, vector<16xf32>,
        tpu.vector_store %arg9[%parallel_loop3A_192, %parallel_loop3A_193, %parallel_loop3A_194], %parallel_loop3A_190 {strides = array<i32>} : memref<4x64x64xf32, #tpu.memory_space<vmem>>, vector<16xf32>,
        %parallel_loop3A_196 = arith.constant 2 : i32
        %parallel_loop3A_197 = vector.broadcast %parallel_loop3A_196 : i32 to vector<16xi32>
        %parallel_loop3A_198 = tpu.vector_load_idx %arg7[%parallel_loop3A_197, %parallel_loop3A_179] : memref<4x2080xf32, #tpu.memory_space<vmem>>[vector<16xi32>, vector<16xi32>], vector<16xf32>,
        %parallel_loop3A_199 = arith.constant 2 : i32
        %parallel_loop3A_200 = arith.index_cast %parallel_loop3A_199 : i32 to index
        %parallel_loop3A_201 = arith.index_cast %parallel_loop3A_97 : i32 to index
        %parallel_loop3A_202 = arith.constant 32 : index
        %parallel_loop3A_203 = tpu.vector_load %arg9[%parallel_loop3A_200, %parallel_loop3A_201, %parallel_loop3A_202] {strides = array<i32>} : memref<4x64x64xf32, #tpu.memory_space<vmem>>, vector<16xf32>,
        tpu.vector_store %arg9[%parallel_loop3A_200, %parallel_loop3A_201, %parallel_loop3A_202], %parallel_loop3A_198 {strides = array<i32>} : memref<4x64x64xf32, #tpu.memory_space<vmem>>, vector<16xf32>,
        %parallel_loop3A_204 = arith.constant 3 : i32
        %parallel_loop3A_205 = vector.broadcast %parallel_loop3A_204 : i32 to vector<16xi32>
        %parallel_loop3A_206 = tpu.vector_load_idx %arg7[%parallel_loop3A_205, %parallel_loop3A_179] : memref<4x2080xf32, #tpu.memory_space<vmem>>[vector<16xi32>, vector<16xi32>], vector<16xf32>,
        %parallel_loop3A_207 = arith.constant 3 : i32
        %parallel_loop3A_208 = arith.index_cast %parallel_loop3A_207 : i32 to index
        %parallel_loop3A_209 = arith.index_cast %parallel_loop3A_97 : i32 to index
        %parallel_loop3A_210 = arith.constant 32 : index
        %parallel_loop3A_211 = tpu.vector_load %arg9[%parallel_loop3A_208, %parallel_loop3A_209, %parallel_loop3A_210] {strides = array<i32>} : memref<4x64x64xf32, #tpu.memory_space<vmem>>, vector<16xf32>,
        tpu.vector_store %arg9[%parallel_loop3A_208, %parallel_loop3A_209, %parallel_loop3A_210], %parallel_loop3A_206 {strides = array<i32>} : memref<4x64x64xf32, #tpu.memory_space<vmem>>, vector<16xf32>,
        %parallel_loop3A_212 = arith.constant 64 : i32
        %parallel_loop3A_213 = arith.muli %parallel_loop3A_97, %parallel_loop3A_212 : i32
        %parallel_loop3A_214 = arith.constant 48 : i32
        %parallel_loop3A_215 = arith.addi %parallel_loop3A_213, %parallel_loop3A_214 : i32
        %parallel_loop3A_216 = arith.index_cast %parallel_loop3A_215 : i32 to index
        %parallel_loop3A_217 = tpu.vector_load %arg5[%parallel_loop3A_216] {strides = array<i32>} : memref<4096xi32, #tpu.memory_space<vmem>>, vector<16xi32>,
        %parallel_loop3A_218 = arith.constant 0 : i32
        %parallel_loop3A_219 = vector.broadcast %parallel_loop3A_218 : i32 to vector<16xi32>
        %parallel_loop3A_220 = tpu.vector_load_idx %arg7[%parallel_loop3A_219, %parallel_loop3A_217] : memref<4x2080xf32, #tpu.memory_space<vmem>>[vector<16xi32>, vector<16xi32>], vector<16xf32>,
        %parallel_loop3A_221 = arith.constant 0 : i32
        %parallel_loop3A_222 = arith.index_cast %parallel_loop3A_221 : i32 to index
        %parallel_loop3A_223 = arith.index_cast %parallel_loop3A_97 : i32 to index
        %parallel_loop3A_224 = arith.constant 48 : index
        %parallel_loop3A_225 = tpu.vector_load %arg9[%parallel_loop3A_222, %parallel_loop3A_223, %parallel_loop3A_224] {strides = array<i32>} : memref<4x64x64xf32, #tpu.memory_space<vmem>>, vector<16xf32>,
        tpu.vector_store %arg9[%parallel_loop3A_222, %parallel_loop3A_223, %parallel_loop3A_224], %parallel_loop3A_220 {strides = array<i32>} : memref<4x64x64xf32, #tpu.memory_space<vmem>>, vector<16xf32>,
        %parallel_loop3A_226 = arith.constant 1 : i32
        %parallel_loop3A_227 = vector.broadcast %parallel_loop3A_226 : i32 to vector<16xi32>
        %parallel_loop3A_228 = tpu.vector_load_idx %arg7[%parallel_loop3A_227, %parallel_loop3A_217] : memref<4x2080xf32, #tpu.memory_space<vmem>>[vector<16xi32>, vector<16xi32>], vector<16xf32>,
        %parallel_loop3A_229 = arith.constant 1 : i32
        %parallel_loop3A_230 = arith.index_cast %parallel_loop3A_229 : i32 to index
        %parallel_loop3A_231 = arith.index_cast %parallel_loop3A_97 : i32 to index
        %parallel_loop3A_232 = arith.constant 48 : index
        %parallel_loop3A_233 = tpu.vector_load %arg9[%parallel_loop3A_230, %parallel_loop3A_231, %parallel_loop3A_232] {strides = array<i32>} : memref<4x64x64xf32, #tpu.memory_space<vmem>>, vector<16xf32>,
        tpu.vector_store %arg9[%parallel_loop3A_230, %parallel_loop3A_231, %parallel_loop3A_232], %parallel_loop3A_228 {strides = array<i32>} : memref<4x64x64xf32, #tpu.memory_space<vmem>>, vector<16xf32>,
        %parallel_loop3A_234 = arith.constant 2 : i32
        %parallel_loop3A_235 = vector.broadcast %parallel_loop3A_234 : i32 to vector<16xi32>
        %parallel_loop3A_236 = tpu.vector_load_idx %arg7[%parallel_loop3A_235, %parallel_loop3A_217] : memref<4x2080xf32, #tpu.memory_space<vmem>>[vector<16xi32>, vector<16xi32>], vector<16xf32>,
        %parallel_loop3A_237 = arith.constant 2 : i32
        %parallel_loop3A_238 = arith.index_cast %parallel_loop3A_237 : i32 to index
        %parallel_loop3A_239 = arith.index_cast %parallel_loop3A_97 : i32 to index
        %parallel_loop3A_240 = arith.constant 48 : index
        %parallel_loop3A_241 = tpu.vector_load %arg9[%parallel_loop3A_238, %parallel_loop3A_239, %parallel_loop3A_240] {strides = array<i32>} : memref<4x64x64xf32, #tpu.memory_space<vmem>>, vector<16xf32>,
        tpu.vector_store %arg9[%parallel_loop3A_238, %parallel_loop3A_239, %parallel_loop3A_240], %parallel_loop3A_236 {strides = array<i32>} : memref<4x64x64xf32, #tpu.memory_space<vmem>>, vector<16xf32>,
        %parallel_loop3A_242 = arith.constant 3 : i32
        %parallel_loop3A_243 = vector.broadcast %parallel_loop3A_242 : i32 to vector<16xi32>
        %parallel_loop3A_244 = tpu.vector_load_idx %arg7[%parallel_loop3A_243, %parallel_loop3A_217] : memref<4x2080xf32, #tpu.memory_space<vmem>>[vector<16xi32>, vector<16xi32>], vector<16xf32>,
        %parallel_loop3A_245 = arith.constant 3 : i32
        %parallel_loop3A_246 = arith.index_cast %parallel_loop3A_245 : i32 to index
        %parallel_loop3A_247 = arith.index_cast %parallel_loop3A_97 : i32 to index
        %parallel_loop3A_248 = arith.constant 48 : index
        %parallel_loop3A_249 = tpu.vector_load %arg9[%parallel_loop3A_246, %parallel_loop3A_247, %parallel_loop3A_248] {strides = array<i32>} : memref<4x64x64xf32, #tpu.memory_space<vmem>>, vector<16xf32>,
        tpu.vector_store %arg9[%parallel_loop3A_246, %parallel_loop3A_247, %parallel_loop3A_248], %parallel_loop3A_244 {strides = array<i32>} : memref<4x64x64xf32, #tpu.memory_space<vmem>>, vector<16xf32>,
      } {sc.loop_unroll_factor = 2 : i64, sc.parallel_access}
      %mul3A_81 = arith.constant 4 : i32
      %mul3A_82 = arith.muli %add3A_66, %mul3A_81 : i32
      %add3A_83 = arith.addi %mul3A_2, %mul3A_82 : i32
      %dma_start3A_84 = arith.constant 0 : i32
      %dma_start3A_85 = arith.constant 0 : i32
      %dma_start3A_86 = tpu.memref_slice %arg4[%add3A_83, %dma_start3A_84, %dma_start3A_85] : memref<8192x64x64xf32, #tpu.memory_space<hbm>> -> memref<4x64x64xf32, #tpu.memory_space<hbm>>
      %dma_start3A_87 = arith.constant 0 : i32
      %dma_start3A_88 = arith.constant 0 : i32
      %dma_start3A_89 = tpu.memref_slice %arg4[%add3A_83, %dma_start3A_87, %dma_start3A_88] : memref<8192x64x64xf32, #tpu.memory_space<hbm>> -> memref<4x64x64xf32, #tpu.memory_space<hbm>>
      tpu.enqueue_dma source(%arg9 : memref<4x64x64xf32, #tpu.memory_space<vmem>>) target(%dma_start3A_89 : memref<4x64x64xf32, #tpu.memory_space<hbm>>) target_semaphore(%arg13 : memref<!tpu.dma_semaphore, #tpu.memory_space<semaphore_mem>>)
      %add3A_90 = arith.constant 2 : i32
      %add3A_91 = arith.addi %add3A_66, %add3A_90 : i32
      %lt3A_92 = arith.constant 64 : i32
      %lt3A_93 = arith.cmpi slt, %add3A_91, %lt3A_92 : i32
      %convert_element_type3A_94 = arith.extui %lt3A_93 : i1 to i32
      %cond3A_95 = arith.constant 0 : i32
      %cond3A_96 = arith.cmpi ne, %convert_element_type3A_94, %cond3A_95 : i32
      scf.if %cond3A_96 {
        %add3A_97 = arith.constant 2 : i32
        %add3A_98 = arith.addi %add3A_66, %add3A_97 : i32
        %mul3A_99 = arith.constant 4 : i32
        %mul3A_100 = arith.muli %add3A_98, %mul3A_99 : i32
        %add3A_101 = arith.addi %mul3A_2, %mul3A_100 : i32
        %dma_start3A_102 = arith.constant 0 : i32
        %dma_start3A_103 = tpu.memref_slice %arg2[%add3A_101, %dma_start3A_102] : memref<8192x2080xf32, #tpu.memory_space<hbm>> -> memref<4x2080xf32, #tpu.memory_space<hbm>>
        %dma_start3A_104 = arith.constant 0 : i32
        %dma_start3A_105 = tpu.memref_slice %arg2[%add3A_101, %dma_start3A_104] : memref<8192x2080xf32, #tpu.memory_space<hbm>> -> memref<4x2080xf32, #tpu.memory_space<hbm>>
        tpu.enqueue_dma source(%dma_start3A_105 : memref<4x2080xf32, #tpu.memory_space<hbm>>) target(%arg7 : memref<4x2080xf32, #tpu.memory_space<vmem>>) target_semaphore(%arg11 : memref<!tpu.dma_semaphore, #tpu.memory_space<semaphore_mem>>)
      } else {
      }
    }
    %scan3A_17 = arith.constant 32 : i32
    %dma_wait3A = arith.constant 0 : i32
    %dma_wait3A_18 = arith.constant 0 : i32
    %dma_wait3A_19 = arith.constant 0 : i32
    %dma_wait3A_20 = tpu.memref_slice %arg4[%dma_wait3A, %dma_wait3A_18, %dma_wait3A_19] : memref<8192x64x64xf32, #tpu.memory_space<hbm>> -> memref<4x64x64xf32, #tpu.memory_space<hbm>>
    %dma_wait3A_21 = arith.constant 0 : i32
    %dma_wait3A_22 = arith.constant 0 : i32
    %dma_wait3A_23 = arith.constant 0 : i32
    %dma_wait3A_24 = tpu.memref_slice %arg4[%dma_wait3A_21, %dma_wait3A_22, %dma_wait3A_23] : memref<8192x64x64xf32, #tpu.memory_space<hbm>> -> memref<4x64x64xf32, #tpu.memory_space<hbm>>
    tpu.wait_dma2 semaphore(%arg12 : memref<!tpu.dma_semaphore, #tpu.memory_space<semaphore_mem>>) src(%arg8 : memref<4x64x64xf32, #tpu.memory_space<vmem>>) dst(%dma_wait3A_24 : memref<4x64x64xf32, #tpu.memory_space<hbm>>)
    %dma_wait3A_25 = arith.constant 0 : i32
    %dma_wait3A_26 = arith.constant 0 : i32
    %dma_wait3A_27 = arith.constant 0 : i32
    %dma_wait3A_28 = tpu.memref_slice %arg4[%dma_wait3A_25, %dma_wait3A_26, %dma_wait3A_27] : memref<8192x64x64xf32, #tpu.memory_space<hbm>> -> memref<4x64x64xf32, #tpu.memory_space<hbm>>
    %dma_wait3A_29 = arith.constant 0 : i32
    %dma_wait3A_30 = arith.constant 0 : i32
    %dma_wait3A_31 = arith.constant 0 : i32
    %dma_wait3A_32 = tpu.memref_slice %arg4[%dma_wait3A_29, %dma_wait3A_30, %dma_wait3A_31] : memref<8192x64x64xf32, #tpu.memory_space<hbm>> -> memref<4x64x64xf32, #tpu.memory_space<hbm>>
    tpu.wait_dma2 semaphore(%arg13 : memref<!tpu.dma_semaphore, #tpu.memory_space<semaphore_mem>>) src(%arg9 : memref<4x64x64xf32, #tpu.memory_space<vmem>>) dst(%dma_wait3A_32 : memref<4x64x64xf32, #tpu.memory_space<hbm>>)
    return
  }
}

</mosaic_0001>

<sc_bundles>
// kernel: kernel.3.cloned.1.call-start
scs
__scs_entry_jumppad:
0x0: {  	(pc) =	sbr.rel $0x88, $3  }
0x1: {  	(tag) =	ssettag $0x0;
	lr =	simm.s32 $0x1  }
0x2: {  	[smem:$0x3FA0] =	sst lr;
	_ =	strace $0xD0000000  }
0x3: {  	_ = 	snop  }
0x4: {  	_ = 	snop  }
0x5: {  	_ = 	snop  }
0x6: {  	_ = 	snop  }
0x7: {  	_ = 	snop  }
__scs_overlays_trampoline_lowered:
0x8: {  	[smem:$0x3FAF] =	sst s0  }
0x9: {  	[smem:$0x3FB0] =	sst s1  }
0xa: {  	[smem:$0x3FB1] =	sst s2  }
0xb: {  	[smem:$0x3FB2] =	sst s3  }
0xc: {  	[smem:$0x3FB3] =	sst s4  }
0xd: {  	[smem:$0x3FB4] =	sst s5  }
0xe: {  	[smem:$0x3FB5] =	sst s6  }
0xf: {  	[smem:$0x3FB6] =	sst s7  }
0x10: {  	[smem:$0x3FB7] =	sst s8  }
0x11: {  	[smem:$0x3FB8] =	sst s9;
	s0 =	simm.s32 @!p0 $0x0  }
0x12: {  	s1 =	sld [smem:$0x3F9E];
	s0 =	simm.s32 @p0 $0x1  }
0x13: {  	[smem:$0x3FB9] =	sst s0;
	s0 =	simm.s32 @!p1 $0x0  }
0x14: {  	s2 =	sld [smem:$0x3F9D];
	s0 =	simm.s32 @p1 $0x1  }
0x15: {  	[smem:$0x3FBA] =	sst s0;
	s0 =	simm.s32 @!p2 $0x0  }
0x16: {  	s3 =	sld [smem:$0x3FDB];
	s0 =	simm.s32 @p2 $0x1  }
0x17: {  	s4 =	simm.s32 $0x1BF5;
	[smem:$0x3FBC] =	sst s0  }
0x18: {  	s0 =	sld [smem:$0x3F9F];
	_ =	swait.ge [sflag:s4], $0x0  }
0x19: {  	s7 =	sld [smem:$0x3FA0]  }
0x1a: {  	s8 =	sadd.s32 $0xFFFFE003, lr  }
0x1b: {  	s9 =	sadd.s32 $0xFFFFFEF7, lr;
	s5 =	simm.s32 $0xFFFFFFFF;
	p2 =	slt.u32 s8, $0xFFFFF086  }
0x1c: {  	p1 =	slt.u32 s9, $0xF7A;
	s5 =	simm.s32 @!p2 $0x0  }
0x1d: {  	s5 =	simm.s32 @p1 $0x1;
	p0 =	seq.s32 s7, s2  }
0x1e: {  	s7 =	smul.u32 @!p0 $0xF7A, s2;
	p2 =	seq.s32 @!p0 s5, $0x0  }
0x1f: {  	s9 =	smul.u32 $0xF7A, s1;
	s8 =	simm.s32 @!p0 $0x1BF5;
	p2 =	por !p2, p0  }
0x20: {  	[sflag:s8] =	ssyncset.s32 @!p0 $0xFFFFF086;
	s6 =	sadd.s32 @!p0 s3, s7;
	s7 =	simm.s32 @!p0 $0x108  }
0x21: {  	s3 =	sadd.s32 s3, s9;
	s6 =	sadd.s32 @!p0 $0x88, s6;
	s7 =	simm.s32 @p2 $0x1082  }
0x22: {  	[simem:s7], [sflag:s8] =	dma.local @!p0 [hbm:s6], $0xF7A  }
0x23: {  	s9 =	sor.u32 $0xD0000000, s2;
	s6 =	simm.s32 $0x108;
	_ =	swait.ge @!p0 [sflag:s8], $0x0  }
0x24: {  	s3 =	sadd.s32 $0x88, s3;
	s6 =	simm.s32 @!p1 $0x1082;
	[sflag:s4] =	ssyncset.s32 $0xFFFFF086  }
0x25: {  	[simem:s6], [sflag:s4] =	dma.local [hbm:s3], $0xF7A  }
0x26: {  	[smem:$0x3FA0] =	sst s1;
	(tag) =	ssettag s2;
	_ =	strace s9  }
0x27: {  	s1 =	sld [smem:$0x3FB0]  }
0x28: {  	s2 =	sld [smem:$0x3FB1]  }
0x29: {  	s4 =	sld [smem:$0x3FB3]  }
0x2a: {  	p0 =	seq.s32 s5, $0x0;
	s5 =	sld [smem:$0x3FB4]  }
0x2b: {  	s6 =	sld [smem:$0x3FB5]  }
0x2c: {  	s7 =	sld [smem:$0x3FB6]  }
0x2d: {  	s3 =	simm.s32 $0x108;
	s8 =	sld [smem:$0x3FB7]  }
0x2e: {  	s3 =	simm.s32 @!p0 $0x1082;
	s9 =	sld [smem:$0x3FB8]  }
0x2f: {  	lr =	sadd.s32 s0, s3;
	s0 =	sld [smem:$0x3FAF]  }
0x30: {  	s3 =	sld [smem:$0x3FB2]  }
0x31: {  	[smem:$0x3FBB] =	sst s10  }
0x32: {  	s10 =	sld [smem:$0x3FB9];
	_ =	sdelay $0x3  }
0x33: {  	p0 =	seq.s32 s10, $0x1;
	s10 =	sld [smem:$0x3FBB];
	_ =	sdelay $0x3  }
0x34: {  	[smem:$0x3FBB] =	sst s10  }
0x35: {  	s10 =	sld [smem:$0x3FBA];
	_ =	sdelay $0x3  }
0x36: {  	p1 =	seq.s32 s10, $0x1;
	s10 =	sld [smem:$0x3FBB];
	_ =	sdelay $0x3  }
0x37: {  	[smem:$0x3FBB] =	sst s10  }
0x38: {  	s10 =	sld [smem:$0x3FBC]  }
0x39: {  	_ = 	snop;
	(pc) =	sbr.ind lr, $3  }
0x3a: {  	_ = 	snop  }
0x3b: {  	_ = 	snop  }
0x3c: {  	p2 =	seq.s32 s10, $0x1;
	s10 =	sld [smem:$0x3FBB]  }
0x3d: {  	_ =	shalt  }
0x3e: {  	_ =	shalt  }
0x3f: {  	_ =	shalt  }
0x40: {  	_ =	shalt  }
0x41: {  	_ =	shalt  }
0x42: {  	_ =	shalt  }
0x43: {  	_ =	shalt  }
0x44: {  	_ =	shalt  }
0x45: {  	_ =	shalt  }
0x46: {  	_ =	shalt  }
0x47: {  	_ =	shalt  }
0x48: {  	_ =	shalt  }
0x49: {  	_ =	shalt  }
0x4a: {  	_ =	shalt  }
0x4b: {  	_ =	shalt  }
0x4c: {  	_ =	shalt  }
0x4d: {  	_ =	shalt  }
0x4e: {  	_ =	shalt  }
0x4f: {  	_ =	shalt  }
0x50: {  	_ =	shalt  }
0x51: {  	_ =	shalt  }
0x52: {  	_ =	shalt  }
0x53: {  	_ =	shalt  }
0x54: {  	_ =	shalt  }
0x55: {  	_ =	shalt  }
0x56: {  	_ =	shalt  }
0x57: {  	_ =	shalt  }
0x58: {  	_ =	shalt  }
0x59: {  	_ =	shalt  }
0x5a: {  	_ =	shalt  }
0x5b: {  	_ =	shalt  }
0x5c: {  	_ =	shalt  }
0x5d: {  	_ =	shalt  }
0x5e: {  	_ =	shalt  }
0x5f: {  	_ =	shalt  }
0x60: {  	_ =	shalt  }
0x61: {  	_ =	shalt  }
0x62: {  	_ =	shalt  }
0x63: {  	_ =	shalt  }
0x64: {  	_ =	shalt  }
0x65: {  	_ =	shalt  }
0x66: {  	_ =	shalt  }
0x67: {  	_ =	shalt  }
0x68: {  	_ =	shalt  }
0x69: {  	_ =	shalt  }
0x6a: {  	_ =	shalt  }
0x6b: {  	_ =	shalt  }
0x6c: {  	_ =	shalt  }
0x6d: {  	_ =	shalt  }
0x6e: {  	_ =	shalt  }
0x6f: {  	_ =	shalt  }
0x70: {  	_ =	shalt  }
0x71: {  	_ =	shalt  }
0x72: {  	_ =	shalt  }
0x73: {  	_ =	shalt  }
0x74: {  	_ =	shalt  }
0x75: {  	_ =	shalt  }
0x76: {  	_ =	shalt  }
0x77: {  	_ =	shalt  }
0x78: {  	_ =	shalt  }
0x79: {  	_ =	shalt  }
0x7a: {  	_ =	shalt  }
0x7b: {  	_ =	shalt  }
0x7c: {  	_ =	shalt  }
0x7d: {  	_ =	shalt  }
0x7e: {  	_ =	shalt  }
0x7f: {  	_ =	shalt  }
0x80: {  	_ =	shalt  }
0x81: {  	_ =	shalt  }
0x82: {  	_ =	shalt  }
0x83: {  	_ =	shalt  }
0x84: {  	_ =	shalt  }
0x85: {  	_ =	shalt  }
0x86: {  	_ =	shalt  }
0x87: {  	_ =	shalt  }
.Lfunc_end0:
.L_simem_size_0:
called_computation_lowered:
.L_overlay_start_0:
0x88: {  	s2 =	sld [smem:$0x3FD9]  }
0x89: {  	s3 =	sld [smem:$0x3FFE];
	_ =	sdelay $0x1  }
0x8a: {  	s1 =	srdreg.scid  }
0x8b: {  	s0 =	sand.u32 $0x1, s1  }
0x8c: {  	s17 =	sshll.u32 s0, $0xA;
	s2 =	sadd.s32 s3, s2  }
0x8d: {  	s2 =	sadd.s32 s2, s17  }
0x8e: {  	[smem:$0x3FC7] =	sst s2  }
0x8f: {  	_ = 	snop  }
0x90: {  	s2 =	sld [smem:$0x3FD0];
	(tm) =	ssettm $0x1  }
0x91: {  	s18 =	sld [smem:$0x3FFB];
	_ =	sdelay $0x3  }
0x92: {  	_ =	strace s18  }
0x93: {  	s3 =	sld [smem:$0x3FFC];
	_ =	sdelay $0x3  }
0x94: {  	_ =	strace s3  }
0x95: {  	s3 =	sld [smem:$0x3FFD];
	_ =	sdelay $0x3  }
0x96: {  	_ =	strace s3  }
0x97: {  	_ =	strace $0x8FFFFFFF  }
0x98: {  	s19 =	sld [smem:$0x3FDB];
	_ =	sdelay $0x1  }
0x99: {  	s4 =	simm.s32 $_scs_section_size  }
0x9a: {  	s5 =	simm.s32 $_size__tile_overlayer_lowered;
	s6 =	simm.s32 $_tile_overlayer_lowered  }
0x9b: {  	s22 =	simm.s32 $0x1BFF;
	s21 =	sshll.u32 s6, $0x1;
	s3 =	sadd.s32 s4, s19  }
0x9c: {  	s7 =	simm.s32 $0x0;
	s20 =	sshll.u32 s5, $0x1;
	s5 =	sadd.s32 s21, s3  }
0x9d: {  	[timem:s7], [sflag:s22] =	dma.local [hbm:s5], s20  }
0x9e: {  	_ =	swait.ge [sflag:s22], s20  }
0x9f: {  	s4 =	ssub.s32 $0x0, s20;
	[sflag:s22] =	ssyncset.done $0x0  }
0xa0: {  	[sflag:s22] =	ssyncadd.s32 s4;
	_ =	sdelay $0x1  }
0xa1: {  	s23 =	simm.s32 $0x1B8B  }
0xa2: {  	_ =	swait.ge [sflag:s23], $0x1  }
0xa3: {  	[sflag:s23] =	ssyncset.done $0x0  }
0xa4: {  	s25 =	simm.s32 $0x1B8E;
	s24 =	sld [smem:$0x3FFE];
	[sflag:s23] =	ssyncadd.s32 $0xFFFFFFFF  }
0xa5: {  	s26 =	simm.s32 $execute0_lowered;
	[smem:$0x3FD2] =	sst s25  }
0xa6: {  	s5 =	sshll.u32 s26, $0x1;
	_ =	strace $0x80000046;
	[dreg:$0x1] =	wrdreg $0xFFFFFFFF  }
0xa7: {  	s28 =	simm.s32 $_size_execute0_lowered;
	s3 =	sadd.s32 s3, s5;
	[dreg:$0x0] =	wrdreg $0x0  }
0xa8: {  	s5 =	sshll.u32 s28, $0x1;
	[dreg:$0x2] =	wrdreg s3  }
0xa9: {  	[dreg:$0x3] =	wrdreg s5  }
0xaa: {  	[dreg:$0x4] =	wrdreg $0xC0  }
0xab: {  	_ =	task [dreg:s7], $0x5FFFF  }
0xac: {  	[dreg:$0x1] =	wrdreg $0xFFFFFFFF  }
0xad: {  	[dreg:$0x0] =	wrdreg $0x60  }
0xae: {  	[dreg:$0x2] =	wrdreg s2  }
0xaf: {  	[dreg:$0x3] =	wrdreg s24  }
0xb0: {  	[dreg:$0x4] =	wrdreg $0x9  }
0xb1: {  	_ =	task.clear_ibuf [dreg:s7], $0x5FFFF;
	_ =	strace $0x90000046  }
0xb2: {  	s29 =	simm.s32 $0x9;
	_ =	strace $0x80000048  }
0xb3: {  	_ =	swait.ge [sflag:s29], $0x1  }
0xb4: {  	[sflag:s29] =	ssyncadd.s32 $0xFFFFFFFF  }
0xb5: {  	_ =	strace $0x90000048  }
0xb6: {  	_ =	sfence  }
0xb7: {  	s30 =	sld [smem:$0x0];
	_ =	sdelay $0x2  }
0xb8: {  	s31 =	sshll.u32 s1, $0xD;
	s1 =	sshrl.u32 s1, $0x2  }
0xb9: {  	s3 =	sand.u32 $0x4000, s31;
	s1 =	sadd.s32 s1, s30  }
0xba: {  	s0 =	sor.u32 s3, s0;
	s1 =	sshll.u32 s1, $0x11  }
0xbb: {  	s0 =	sor.u32 s1, s0  }
0xbc: {  	s0 =	sadd.s32 $0x8F2B, s0  }
0xbd: {  	[sflag:s0] =	ssyncadd.remote.s32 $0x1  }
0xbe: {  	_ =	sfence.sel $0xFFFF  }
0xbf: {  	[dreg:$0x0] =	wrdreg $0xFFFFFFFF;
	(pc) =	sbr.abs _section_cstart, $3  }
0xc0: {  	[dreg:$0x1] =	wrdreg $0xFFFFFFFF  }
0xc1: {  	_ =	task.clear_ibuf [dreg:s7], $0x2FFFF;
	_ =	strace $0x9FFFFFFF  }
0xc2: {  	(tm) =	ssettm $0x7FFFFFFF  }
0xc3: {  	_ =	shalt  }
tec
execute0_lowered:
.L_overlay_start_1:
0x0: {  	(tag) =	ssettag $0x1  }
0x1: {  	s9 =	rddreg [dreg:$0x0]  }
0x2: {  	s0 =	rddreg [dreg:$0x1];
	s1 =	srdreg.scid  }
0x3: {  	s2 =	stileid.u32;
	s3 =	simm.s32 $0x0;
	s16 =	simm.s32 $0x1000  }
0x4: {  	s17 =	simm.s32 $0x3200;
	s18 =	simm.s32 $0x1;
	s1 =	sand.u32 $0x1, s1  }
0x5: {  	s20 =	simm.s32 $0x2;
	s2 =	sshll.u32 s2, $0x9;
	s4 =	sshll.u32 s1, $0x8  }
0x6: {  	s21 =	simm.s32 $0x4;
	[smem:$0x7FF] =	sst s3;
	s4 =	sor.u32 s4, s2  }
0x7: {  	s5 =	sadd.s32 $0x600, s0;
	s1 =	ssub.s32 $0x2, s1;
	s2 =	sshrl.u32 s4, $0x3  }
0x8: {  	s6 =	sadd.s32 $0x800, s0;
	s26 =	sshrl.u32 s1, $0x1;
	s8 =	smul.u32 $0x880, s2  }
.Ltmp0:
0x9: {  	s7 =	sadd.s32 $0x40, s9;
	s28 =	ssub.s32 s1, s26;
	(pc) =	sbr.rel .LBB2_1-.Ltmp0, $4  }
0xa: {  	_ =	strace $0x80000047;
	[dreg:$0x3] =	wrdreg s5;
	s0 =	smax.u32 s28, $0x1  }
0xb: {  	s31 =	sshll.u32 s4, $0xA;
	[dreg:$0x6] =	wrdreg s0;
	s29 =	sadd.s32 s9, s8  }
0xc: {  	s1 =	simm.s32 $0x0;
	s30 =	sadd.s32 s8, s7;
	[dreg:$0x4] =	wrdreg s29  }
0xd: {  	s10 =	sadd.s32 s6, s31;
	s12 =	sor.u32 $0x1, s2;
	[dreg:$0x5] =	wrdreg s30  }
.LBB2_12:
0xe: {  	s0 =	simm.s32 $0x3  }
0xf: {  	_ =	swait.ge [sflag:s0], $0x8000  }
0x10: {  	[sflag:s0] =	ssyncset.done $0x0  }
0x11: {  	[sflag:s0] =	ssyncadd.s32 $0xFFFF8000  }
0x12: {  	_ =	swait.ge [sflag:s21], $0x8000  }
0x13: {  	s1 =	rddreg [dreg:$0x7]  }
0x14: {  	s31 =	rddreg [dreg:$0x6];
	s1 =	sadd.s32 $0x1, s1  }
0x15: {  	p0 =	sne.s32 s1, s31  }
.Ltmp1:
0x16: {  	_ = 	snop;
	(pc) =	sbr.rel @!p0 .LBB2_13-.Ltmp1, $3  }
0x17: {  	_ =	sdelay $0x1  }
0x18: {  	[sflag:s21] =	ssyncset.done $0x0  }
0x19: {  	[sflag:s21] =	ssyncadd.s32 $0xFFFF8000  }
.LBB2_1:
0x1a: {  	[dreg:$0x7] =	wrdreg s1  }
0x1b: {  	s0 =	rddreg [dreg:$0x3];
	s28 =	simm.s32 $0x5  }
0x1c: {  	[tilespmem:s3], [sflag:$0x5] =	stream.linear.gather [hbm4b:s0+s3], $0x1000, $0x38;
	[tilespmem:$0x15400] =	vst v63  }
0x1d: {  	_ =	swait.ge [sflag:s28], $0x1000  }
0x1e: {  	s30 =	simm.s32 $0x200;
	[sflag:s28] =	ssyncset.done $0x0  }
0x1f: {  	s2 =	simm.s32 $0x400;
	s29 =	rddreg [dreg:$0x4];
	[sflag:s28] =	ssyncadd.s32 $0xFFFFF000  }
0x20: {  	[tilespmem:s16], [sflag:$0x1] =	stream.strided.gather [hbm4b:s29+s30], $0x2200, s2, s30, $0x38;
	[tilespmem:$0x15400] =	vst v63  }
0x21: {  	s25 =	simm.s32 $0x0;
	s31 =	rddreg [dreg:$0x5]  }
0x22: {  	[tilespmem:s17], [sflag:$0x2] =	stream.strided.gather [hbm4b:s31+s30], $0x2200, s2, s30, $0x38;
	[tilespmem:$0x15400] =	vst v63  }
.LBB2_2:
0x23: {  	_ =	swait.ge [sflag:s18], $0x2200  }
0x24: {  	p0 =	seq.s32 s25, $0x0;
	[sflag:s18] =	ssyncset.done $0x0  }
0x25: {  	s0 =	simm.s32 @!p0 $0x3;
	[sflag:s18] =	ssyncadd.s32 $0xFFFFDE00  }
0x26: {  	_ =	swait.ge @!p0 [sflag:s0], $0x8000  }
0x27: {  	[sflag:s0] =	ssyncset.done @!p0 $0x0  }
0x28: {  	s1 =	simm.s32 $0x20;
	[sflag:s0] =	ssyncadd.s32 @!p0 $0xFFFF8000  }
0x29: {  	v0 =	vld [tilespmem:s1+$0x20];
	_ =	sdelay $0x4  }
0x2a: {  	v1 =	vshll.u32 v0, $0x2  }
0x2b: {  	v0 =	vand.u32 $0x7F, v0;
	v1 =	vand.u32 $0xFFFFFE00, v1  }
0x2c: {  	v0 =	vor.u32 v0, v1;
	_ =	sdelay $0x2  }
0x2d: {  	v1 =	vld [tilespmem:s1+$0xFFFFFFE0];
	_ =	sdelay $0x1  }
0x2e: {  	v2 =	vld.idx.msk [tilespmem:v0+s16+$0x0], $0xffff  }
0x2f: {  	v3 =	vor.u32 $0x80, v0;
	_ =	sdelay $0x1  }
0x30: {  	v4 =	vshll.u32 v1, $0x2  }
0x31: {  	s28 =	simm.s32 $0xB4B0;
	v1 =	vand.u32 $0x7F, v1;
	v4 =	vand.u32 $0xFFFFFE00, v4  }
0x32: {  	v1 =	vor.u32 v1, v4;
	[tilespmem:s28+$0xFFFF9FD0] =	vst v2  }
0x33: {  	v2 =	vld.idx.msk [tilespmem:v3+s16+$0x0], $0xffff  }
0x34: {  	v3 =	vor.u32 $0x100, v0;
	_ =	sdelay $0x2  }
0x35: {  	v4 =	vld.idx.msk [tilespmem:v1+s16+$0x0], $0xffff  }
0x36: {  	v5 =	vor.u32 $0x80, v1;
	[tilespmem:s28+$0xFFFFBFD0] =	vst v2  }
0x37: {  	v2 =	vld.idx.msk [tilespmem:v3+s16+$0x0], $0xffff  }
0x38: {  	v0 =	vor.u32 $0x180, v0;
	_ =	sdelay $0x1  }
0x39: {  	[tilespmem:s28+$0xFFFF9F50] =	vst v4  }
0x3a: {  	v3 =	vld.idx.msk [tilespmem:v5+s16+$0x0], $0xffff  }
0x3b: {  	v4 =	vor.u32 $0x100, v1;
	[tilespmem:s28+$0xFFFFDFD0] =	vst v2  }
0x3c: {  	v0 =	vld.idx.msk [tilespmem:v0+s16+$0x0], $0xffff;
	_ =	sdelay $0x2  }
0x3d: {  	[tilespmem:s28+$0xFFFFBF50] =	vst v3  }
0x3e: {  	s2 =	simm.s32 $0x40;
	s8 =	simm.s32 $0xA0;
	v2 =	vld.idx.msk [tilespmem:v4+s16+$0x0], $0xffff  }
0x3f: {  	s9 =	sor.u32 $0x50, s2;
	v1 =	vor.u32 $0x180, v1;
	v3 =	vld [tilespmem:s8+$0x20];
	[tilespmem:s28+$0xFFFFFFD0] =	vst v0  }
0x40: {  	v0 =	vld [tilespmem:s9+$0x0];
	_ =	sdelay $0x2  }
0x41: {  	[tilespmem:s28+$0xFFFFDF50] =	vst v2  }
0x42: {  	v2 =	vshll.u32 v3, $0x2;
	v1 =	vld.idx.msk [tilespmem:v1+s16+$0x0], $0xffff  }
0x43: {  	v3 =	vand.u32 $0x7F, v3;
	v2 =	vand.u32 $0xFFFFFE00, v2;
	v4 =	vshll.u32 v0, $0x2  }
0x44: {  	v2 =	vor.u32 v3, v2;
	v0 =	vand.u32 $0x7F, v0;
	v4 =	vand.u32 $0xFFFFFE00, v4  }
0x45: {  	v3 =	vld [tilespmem:s8+$0xFFFFFFE0];
	v0 =	vor.u32 v0, v4;
	_ =	sdelay $0x1  }
0x46: {  	[tilespmem:s28+$0xFFFFFF50] =	vst v1  }
0x47: {  	v1 =	vld [tilespmem:s1+$0xFFFFFFF0]  }
0x48: {  	v4 =	vld.idx.msk [tilespmem:v2+s16+$0x0], $0xffff  }
0x49: {  	v7 =	vor.u32 $0x80, v2;
	v5 =	vshll.u32 v3, $0x2;
	v6 =	vld.idx.msk [tilespmem:v0+s16+$0x0], $0xffff  }
0x4a: {  	v3 =	vand.u32 $0x7F, v3;
	v5 =	vand.u32 $0xFFFFFE00, v5;
	v8 =	vor.u32 $0x80, v0  }
0x4b: {  	v3 =	vor.u32 v3, v5  }
0x4c: {  	s29 =	simm.s32 $0xB5B0;
	v5 =	vshll.u32 v1, $0x2  }
0x4d: {  	v1 =	vand.u32 $0x7F, v1;
	[tilespmem:s29+$0xFFFF9FD0] =	vst v4;
	v5 =	vand.u32 $0xFFFFFE00, v5  }
0x4e: {  	v4 =	vld.idx.msk [tilespmem:v7+s16+$0x0], $0xffff;
	v1 =	vor.u32 v1, v5;
	[tilespmem:s28+$0xFFFF9FE0] =	vst v6  }
0x4f: {  	v6 =	vor.u32 $0x100, v2;
	v5 =	vld.idx.msk [tilespmem:v8+s16+$0x0], $0xffff  }
0x50: {  	v7 =	vld.idx.msk [tilespmem:v3+s16+$0x0], $0xffff;
	v8 =	vor.u32 $0x100, v0  }
0x51: {  	v9 =	vor.u32 $0x80, v3;
	_ =	sdelay $0x1  }
0x52: {  	[tilespmem:s29+$0xFFFFBFD0] =	vst v4;
	v10 =	vld.idx.msk [tilespmem:v1+s16+$0x0], $0xffff  }
0x53: {  	v4 =	vor.u32 $0x80, v1;
	v6 =	vld.idx.msk [tilespmem:v6+s16+$0x0], $0xffff;
	[tilespmem:s28+$0xFFFFBFE0] =	vst v5  }
0x54: {  	v2 =	vor.u32 $0x180, v2;
	[tilespmem:s29+$0xFFFF9F50] =	vst v7;
	v5 =	vld.idx.msk [tilespmem:v8+s16+$0x0], $0xffff  }
0x55: {  	v0 =	vor.u32 $0x180, v0;
	v7 =	vld.idx.msk [tilespmem:v9+s16+$0x0], $0xffff  }
0x56: {  	v8 =	vor.u32 $0x100, v3  }
0x57: {  	[tilespmem:s28+$0xFFFF9F60] =	vst v10  }
0x58: {  	v4 =	vld.idx.msk [tilespmem:v4+s16+$0x0], $0xffff;
	[tilespmem:s29+$0xFFFFDFD0] =	vst v6  }
0x59: {  	v6 =	vor.u32 $0x100, v1;
	v2 =	vld.idx.msk [tilespmem:v2+s16+$0x0], $0xffff;
	[tilespmem:s28+$0xFFFFDFE0] =	vst v5  }
0x5a: {  	[tilespmem:s29+$0xFFFFBF50] =	vst v7;
	v0 =	vld.idx.msk [tilespmem:v0+s16+$0x0], $0xffff  }
0x5b: {  	v5 =	vld.idx.msk [tilespmem:v8+s16+$0x0], $0xffff  }
0x5c: {  	s26 =	simm.s32 $0x120;
	v3 =	vor.u32 $0x180, v3  }
0x5d: {  	s9 =	simm.s32 $0xC0;
	[tilespmem:s28+$0xFFFFBF60] =	vst v4;
	v4 =	vld [tilespmem:s26+$0x20]  }
0x5e: {  	s11 =	sor.u32 $0x50, s9;
	v6 =	vld.idx.msk [tilespmem:v6+s16+$0x0], $0xffff;
	[tilespmem:s29+$0xFFFFFFD0] =	vst v2  }
0x5f: {  	s13 =	sor.u32 $0x60, s2;
	v1 =	vor.u32 $0x180, v1;
	v2 =	vld [tilespmem:s11+$0x0];
	[tilespmem:s28+$0xFFFFFFE0] =	vst v0  }
0x60: {  	[tilespmem:s29+$0xFFFFDF50] =	vst v5;
	v0 =	vld [tilespmem:s13+$0x0]  }
0x61: {  	v3 =	vld.idx.msk [tilespmem:v3+s16+$0x0], $0xffff  }
0x62: {  	v5 =	vld [tilespmem:s26+$0xFFFFFFE0];
	v7 =	vshll.u32 v4, $0x2  }
0x63: {  	v4 =	vand.u32 $0x7F, v4;
	[tilespmem:s28+$0xFFFFDF60] =	vst v6;
	v6 =	vand.u32 $0xFFFFFE00, v7  }
0x64: {  	v1 =	vld.idx.msk [tilespmem:v1+s16+$0x0], $0xffff;
	v4 =	vor.u32 v4, v6;
	v7 =	vshll.u32 v2, $0x2  }
0x65: {  	v2 =	vand.u32 $0x7F, v2;
	v6 =	vand.u32 $0xFFFFFE00, v7;
	v7 =	vshll.u32 v0, $0x2  }
0x66: {  	[tilespmem:s29+$0xFFFFFF50] =	vst v3;
	v2 =	vor.u32 v2, v6;
	v0 =	vand.u32 $0x7F, v0;
	v3 =	vand.u32 $0xFFFFFE00, v7  }
0x67: {  	v6 =	vld [tilespmem:s8+$0xFFFFFFF0];
	v0 =	vor.u32 v0, v3;
	v3 =	vshll.u32 v5, $0x2  }
0x68: {  	v5 =	vand.u32 $0x7F, v5;
	v3 =	vand.u32 $0xFFFFFE00, v3  }
0x69: {  	[tilespmem:s28+$0xFFFFFF60] =	vst v1;
	v1 =	vor.u32 v5, v3;
	v3 =	vld.idx.msk [tilespmem:v4+s16+$0x0], $0xffff  }
0x6a: {  	v7 =	vor.u32 $0x80, v4;
	v5 =	vld [tilespmem:s1+$0x0]  }
0x6b: {  	v8 =	vld.idx.msk [tilespmem:v2+s16+$0x0], $0xffff  }
0x6c: {  	v11 =	vor.u32 $0x80, v2;
	v9 =	vshll.u32 v6, $0x2;
	v10 =	vld.idx.msk [tilespmem:v0+s16+$0x0], $0xffff  }
0x6d: {  	s30 =	simm.s32 $0xB6B0;
	v12 =	vor.u32 $0x80, v0;
	v6 =	vand.u32 $0x7F, v6;
	v9 =	vand.u32 $0xFFFFFE00, v9  }
0x6e: {  	v6 =	vor.u32 v6, v9;
	v9 =	vld.idx.msk [tilespmem:v1+s16+$0x0], $0xffff;
	[tilespmem:s30+$0xFFFF9FD0] =	vst v3  }
0x6f: {  	v3 =	vor.u32 $0x80, v1;
	v13 =	vshll.u32 v5, $0x2;
	v7 =	vld.idx.msk [tilespmem:v7+s16+$0x0], $0xffff  }
0x70: {  	v5 =	vand.u32 $0x7F, v5;
	v13 =	vand.u32 $0xFFFFFE00, v13;
	[tilespmem:s29+$0xFFFF9FE0] =	vst v8;
	v8 =	vor.u32 $0x100, v4  }
0x71: {  	v5 =	vor.u32 v5, v13;
	v11 =	vld.idx.msk [tilespmem:v11+s16+$0x0], $0xffff;
	[tilespmem:s28+$0xFFFF9FF0] =	vst v10  }
0x72: {  	v10 =	vld.idx.msk [tilespmem:v12+s16+$0x0], $0xffff;
	v12 =	vor.u32 $0x100, v2  }
0x73: {  	v13 =	vor.u32 $0x100, v0;
	[tilespmem:s30+$0xFFFF9F50] =	vst v9;
	v9 =	vld.idx.msk [tilespmem:v6+s16+$0x0], $0xffff  }
0x74: {  	v14 =	vor.u32 $0x80, v6;
	v3 =	vld.idx.msk [tilespmem:v3+s16+$0x0], $0xffff;
	[tilespmem:s30+$0xFFFFBFD0] =	vst v7  }
0x75: {  	v7 =	vor.u32 $0x100, v1;
	v8 =	vld.idx.msk [tilespmem:v8+s16+$0x0], $0xffff  }
0x76: {  	v4 =	vor.u32 $0x180, v4;
	v15 =	vld.idx.msk [tilespmem:v5+s16+$0x0], $0xffff;
	[tilespmem:s29+$0xFFFFBFE0] =	vst v11  }
0x77: {  	v11 =	vor.u32 $0x80, v5;
	v12 =	vld.idx.msk [tilespmem:v12+s16+$0x0], $0xffff;
	[tilespmem:s28+$0xFFFFBFF0] =	vst v10  }
0x78: {  	v2 =	vor.u32 $0x180, v2;
	v10 =	vld.idx.msk [tilespmem:v13+s16+$0x0], $0xffff;
	[tilespmem:s29+$0xFFFF9F60] =	vst v9  }
0x79: {  	v0 =	vor.u32 $0x180, v0;
	[tilespmem:s30+$0xFFFFBF50] =	vst v3;
	v3 =	vld.idx.msk [tilespmem:v14+s16+$0x0], $0xffff  }
0x7a: {  	v9 =	vor.u32 $0x100, v6;
	v7 =	vld.idx.msk [tilespmem:v7+s16+$0x0], $0xffff;
	[tilespmem:s30+$0xFFFFDFD0] =	vst v8  }
0x7b: {  	[tilespmem:s28+$0xFFFF9F70] =	vst v15;
	v4 =	vld.idx.msk [tilespmem:v4+s16+$0x0], $0xffff  }
0x7c: {  	v8 =	vld.idx.msk [tilespmem:v11+s16+$0x0], $0xffff;
	[tilespmem:s29+$0xFFFFDFE0] =	vst v12  }
0x7d: {  	v1 =	vor.u32 $0x180, v1;
	v2 =	vld.idx.msk [tilespmem:v2+s16+$0x0], $0xffff;
	[tilespmem:s28+$0xFFFFDFF0] =	vst v10  }
0x7e: {  	v0 =	vld.idx.msk [tilespmem:v0+s16+$0x0], $0xffff;
	[tilespmem:s29+$0xFFFFBF60] =	vst v3  }
0x7f: {  	s0 =	simm.s32 $0x1A0;
	s13 =	simm.s32 $0x140;
	v3 =	vld.idx.msk [tilespmem:v9+s16+$0x0], $0xffff  }
0x80: {  	s5 =	sor.u32 $0x50, s13;
	v9 =	vld [tilespmem:s0+$0x20];
	[tilespmem:s30+$0xFFFFFFD0] =	vst v4  }
0x81: {  	[tilespmem:s30+$0xFFFFDF50] =	vst v7;
	v4 =	vor.u32 $0x180, v6;
	v6 =	vld [tilespmem:s5+$0x0]  }
0x82: {  	s14 =	sor.u32 $0x60, s9;
	v1 =	vld.idx.msk [tilespmem:v1+s16+$0x0], $0xffff;
	[tilespmem:s29+$0xFFFFFFE0] =	vst v2  }
0x83: {  	s2 =	sor.u32 $0x70, s2;
	[tilespmem:s28+$0xFFFFFFF0] =	vst v0;
	v0 =	vld [tilespmem:s14+$0x0]  }
0x84: {  	v2 =	vld [tilespmem:s2+$0x0]  }
0x85: {  	v10 =	vld [tilespmem:s0+$0xFFFFFFE0];
	v7 =	vor.u32 $0x100, v5;
	[tilespmem:s29+$0xFFFFDF60] =	vst v3  }
0x86: {  	v3 =	vld.idx.msk [tilespmem:v4+s16+$0x0], $0xffff;
	v4 =	vand.u32 $0x7F, v9;
	v9 =	vshll.u32 v9, $0x2;
	v11 =	vshll.u32 v6, $0x2  }
0x87: {  	v9 =	vand.u32 $0xFFFFFE00, v9;
	v6 =	vand.u32 $0x7F, v6;
	v11 =	vand.u32 $0xFFFFFE00, v11  }
0x88: {  	v4 =	vor.u32 v4, v9;
	v6 =	vor.u32 v6, v11;
	v9 =	vshll.u32 v0, $0x2  }
0x89: {  	[tilespmem:s30+$0xFFFFFF50] =	vst v1;
	v0 =	vand.u32 $0x7F, v0;
	v1 =	vand.u32 $0xFFFFFE00, v9;
	v9 =	vshll.u32 v2, $0x2  }
0x8a: {  	[tilespmem:s28+$0xFFFFBF70] =	vst v8;
	v8 =	vld [tilespmem:s26+$0xFFFFFFF0];
	v0 =	vor.u32 v0, v1;
	v1 =	vand.u32 $0x7F, v2;
	v2 =	vand.u32 $0xFFFFFE00, v9  }
0x8b: {  	v7 =	vld.idx.msk [tilespmem:v7+s16+$0x0], $0xffff;
	v9 =	vshll.u32 v10, $0x2;
	[tilespmem:s29+$0xFFFFFF60] =	vst v3;
	v1 =	vor.u32 v1, v2  }
0x8c: {  	v3 =	vand.u32 $0x7F, v10;
	v2 =	vor.u32 $0x180, v5;
	v5 =	vand.u32 $0xFFFFFE00, v9;
	v9 =	vld [tilespmem:s8+$0x0]  }
0x8d: {  	v3 =	vor.u32 v3, v5;
	v5 =	vld.idx.msk [tilespmem:v4+s16+$0x0], $0xffff  }
0x8e: {  	v11 =	vor.u32 $0x80, v4;
	v10 =	vld.idx.msk [tilespmem:v6+s16+$0x0], $0xffff  }
0x8f: {  	v13 =	vor.u32 $0x80, v6;
	v14 =	vshll.u32 v8, $0x2;
	v12 =	vld.idx.msk [tilespmem:v0+s16+$0x0], $0xffff  }
0x90: {  	[tilespmem:s28+$0xFFFFDF70] =	vst v7;
	v15 =	vor.u32 $0x80, v0;
	v8 =	vand.u32 $0x7F, v8;
	v14 =	vand.u32 $0xFFFFFE00, v14;
	v7 =	vld.idx.msk [tilespmem:v1+s16+$0x0], $0xffff  }
0x91: {  	s31 =	simm.s32 $0xB7B0;
	v8 =	vor.u32 v8, v14;
	v2 =	vld.idx.msk [tilespmem:v2+s16+$0x0], $0xffff  }
0x92: {  	v16 =	vor.u32 $0x80, v1;
	v14 =	vshll.u32 v9, $0x2;
	v17 =	vld.idx.msk [tilespmem:v3+s16+$0x0], $0xffff;
	[tilespmem:s31+$0xFFFF9FD0] =	vst v5  }
0x93: {  	v9 =	vand.u32 $0x7F, v9;
	v5 =	vor.u32 $0x80, v3;
	v14 =	vand.u32 $0xFFFFFE00, v14;
	v11 =	vld.idx.msk [tilespmem:v11+s16+$0x0], $0xffff;
	[tilespmem:s30+$0xFFFF9FE0] =	vst v10  }
0x94: {  	v9 =	vor.u32 v9, v14;
	v10 =	vld.idx.msk [tilespmem:v13+s16+$0x0], $0xffff;
	[tilespmem:s29+$0xFFFF9FF0] =	vst v12  }
0x95: {  	v12 =	vor.u32 $0x100, v4;
	v13 =	vld.idx.msk [tilespmem:v15+s16+$0x0], $0xffff  }
0x96: {  	[tilespmem:s28+$0xFFFFA000] =	vst v7;
	v7 =	vor.u32 $0x100, v6;
	v15 =	vld.idx.msk [tilespmem:v8+s16+$0x0], $0xffff  }
0x97: {  	v14 =	vld.idx.msk [tilespmem:v16+s16+$0x0], $0xffff;
	[tilespmem:s31+$0xFFFF9F50] =	vst v17;
	v16 =	vor.u32 $0x100, v0  }
0x98: {  	v17 =	vor.u32 $0x100, v1;
	v5 =	vld.idx.msk [tilespmem:v5+s16+$0x0], $0xffff  }
0x99: {  	v18 =	vor.u32 $0x80, v8;
	[tilespmem:s31+$0xFFFFBFD0] =	vst v11;
	v11 =	vld.idx.msk [tilespmem:v9+s16+$0x0], $0xffff  }
0x9a: {  	v19 =	vor.u32 $0x100, v3;
	[tilespmem:s30+$0xFFFFBFE0] =	vst v10;
	v12 =	vld.idx.msk [tilespmem:v12+s16+$0x0], $0xffff  }
0x9b: {  	v10 =	vor.u32 $0x80, v9;
	v7 =	vld.idx.msk [tilespmem:v7+s16+$0x0], $0xffff;
	[tilespmem:s29+$0xFFFFBFF0] =	vst v13  }
0x9c: {  	v4 =	vor.u32 $0x180, v4;
	v13 =	vld.idx.msk [tilespmem:v16+s16+$0x0], $0xffff;
	[tilespmem:s28+$0xFFFFC000] =	vst v14  }
0x9d: {  	v6 =	vor.u32 $0x180, v6;
	[tilespmem:s30+$0xFFFF9F60] =	vst v15;
	v14 =	vld.idx.msk [tilespmem:v17+s16+$0x0], $0xffff  }
0x9e: {  	v0 =	vor.u32 $0x180, v0;
	[tilespmem:s31+$0xFFFFBF50] =	vst v5;
	v5 =	vld.idx.msk [tilespmem:v18+s16+$0x0], $0xffff  }
0x9f: {  	[tilespmem:s29+$0xFFFF9F70] =	vst v11;
	v16 =	vld.idx.msk [tilespmem:v19+s16+$0x0], $0xffff  }
0xa0: {  	v15 =	vor.u32 $0x100, v8;
	v10 =	vld.idx.msk [tilespmem:v10+s16+$0x0], $0xffff;
	[tilespmem:s31+$0xFFFFDFD0] =	vst v12  }
0xa1: {  	v3 =	vor.u32 $0x180, v3;
	v4 =	vld.idx.msk [tilespmem:v4+s16+$0x0], $0xffff;
	[tilespmem:s30+$0xFFFFDFE0] =	vst v7  }
0xa2: {  	v6 =	vld.idx.msk [tilespmem:v6+s16+$0x0], $0xffff;
	[tilespmem:s29+$0xFFFFDFF0] =	vst v13  }
0xa3: {  	s5 =	simm.s32 $0x220;
	v0 =	vld.idx.msk [tilespmem:v0+s16+$0x0], $0xffff  }
0xa4: {  	v7 =	vld [tilespmem:s5+$0x20];
	[tilespmem:s30+$0xFFFFBF60] =	vst v5  }
0xa5: {  	s2 =	simm.s32 $0x1C0;
	v5 =	vld.idx.msk [tilespmem:v15+s16+$0x0], $0xffff;
	[tilespmem:s31+$0xFFFFDF50] =	vst v16  }
0xa6: {  	s11 =	sor.u32 $0x50, s2;
	v3 =	vld.idx.msk [tilespmem:v3+s16+$0x0], $0xffff;
	[tilespmem:s31+$0xFFFFFFD0] =	vst v4;
	v4 =	vor.u32 $0x180, v8  }
0xa7: {  	s15 =	sor.u32 $0x60, s13;
	v1 =	vor.u32 $0x180, v1;
	v8 =	vld [tilespmem:s11+$0x0];
	[tilespmem:s30+$0xFFFFFFE0] =	vst v6  }
0xa8: {  	s9 =	sor.u32 $0x70, s9;
	[tilespmem:s29+$0xFFFFFFF0] =	vst v0;
	v6 =	vld [tilespmem:s15+$0x0]  }
0xa9: {  	v11 =	vld [tilespmem:s9+$0x0]  }
0xaa: {  	v13 =	vld [tilespmem:s5+$0xFFFFFFE0];
	v0 =	vshll.u32 v7, $0x2;
	[tilespmem:s30+$0xFFFFDF60] =	vst v5  }
0xab: {  	v12 =	vor.u32 $0x100, v9;
	[tilespmem:s28+$0xFFFFE000] =	vst v14;
	v5 =	vand.u32 $0x7F, v7;
	v14 =	vand.u32 $0xFFFFFE00, v0;
	v4 =	vld.idx.msk [tilespmem:v4+s16+$0x0], $0xffff  }
0xac: {  	[tilespmem:s28+$0xFFFFFF70] =	vst v2;
	v0 =	vld.idx.msk [tilespmem:v1+s16+$0x0], $0xffff;
	v1 =	vor.u32 v5, v14;
	v7 =	vshll.u32 v8, $0x2;
	v8 =	vand.u32 $0x7F, v8  }
0xad: {  	[tilespmem:s29+$0xFFFFBF70] =	vst v10;
	v7 =	vand.u32 $0xFFFFFE00, v7;
	v5 =	vshll.u32 v6, $0x2;
	v6 =	vand.u32 $0x7F, v6  }
0xae: {  	v10 =	vld [tilespmem:s1+$0x10];
	[tilespmem:s31+$0xFFFFFF50] =	vst v3;
	v3 =	vor.u32 v8, v7;
	v5 =	vand.u32 $0xFFFFFE00, v5;
	v8 =	vshll.u32 v11, $0x2  }
0xaf: {  	v7 =	vld [tilespmem:s0+$0xFFFFFFF0];
	v5 =	vor.u32 v6, v5;
	v6 =	vand.u32 $0x7F, v11;
	v8 =	vand.u32 $0xFFFFFE00, v8  }
0xb0: {  	v2 =	vld.idx.msk [tilespmem:v12+s16+$0x0], $0xffff;
	v11 =	vshll.u32 v13, $0x2;
	[tilespmem:s30+$0xFFFFFF60] =	vst v4;
	v4 =	vor.u32 v6, v8  }
0xb1: {  	v6 =	vor.u32 $0x180, v9;
	v8 =	vand.u32 $0x7F, v13;
	v9 =	vand.u32 $0xFFFFFE00, v11;
	v11 =	vld [tilespmem:s26+$0x0]  }
0xb2: {  	v8 =	vor.u32 v8, v9;
	v9 =	vld.idx.msk [tilespmem:v1+s16+$0x0], $0xffff  }
0xb3: {  	v13 =	vor.u32 $0x80, v1;
	v12 =	vld.idx.msk [tilespmem:v3+s16+$0x0], $0xffff  }
0xb4: {  	v15 =	vor.u32 $0x80, v3;
	v16 =	vshll.u32 v7, $0x2;
	v14 =	vld.idx.msk [tilespmem:v5+s16+$0x0], $0xffff  }
0xb5: {  	[tilespmem:s29+$0xFFFFDF70] =	vst v2;
	v17 =	vor.u32 $0x80, v5;
	v7 =	vand.u32 $0x7F, v7;
	v16 =	vand.u32 $0xFFFFFE00, v16;
	v2 =	vld.idx.msk [tilespmem:v4+s16+$0x0], $0xffff  }
0xb6: {  	s1 =	simm.s32 $0xB8B0;
	v6 =	vld.idx.msk [tilespmem:v6+s16+$0x0], $0xffff;
	v7 =	vor.u32 v7, v16  }
0xb7: {  	v35 =	vor.u32 $0x80, v4;
	v16 =	vshll.u32 v11, $0x2;
	v36 =	vld.idx.msk [tilespmem:v8+s16+$0x0], $0xffff;
	[tilespmem:s1+$0xFFFF9FD0] =	vst v9  }
0xb8: {  	v9 =	vor.u32 $0x80, v8;
	v11 =	vand.u32 $0x7F, v11;
	v16 =	vand.u32 $0xFFFFFE00, v16;
	v13 =	vld.idx.msk [tilespmem:v13+s16+$0x0], $0xffff;
	[tilespmem:s31+$0xFFFF9FE0] =	vst v12  }
0xb9: {  	v11 =	vor.u32 v11, v16;
	v12 =	vld.idx.msk [tilespmem:v15+s16+$0x0], $0xffff;
	[tilespmem:s30+$0xFFFF9FF0] =	vst v14  }
0xba: {  	v14 =	vor.u32 $0x100, v1;
	v15 =	vld.idx.msk [tilespmem:v17+s16+$0x0], $0xffff  }
0xbb: {  	[tilespmem:s29+$0xFFFFA000] =	vst v2;
	v2 =	vor.u32 $0x100, v3;
	v17 =	vld.idx.msk [tilespmem:v7+s16+$0x0], $0xffff  }
0xbc: {  	v37 =	vor.u32 $0x100, v5;
	v16 =	vld.idx.msk [tilespmem:v35+s16+$0x0], $0xffff;
	[tilespmem:s1+$0xFFFF9F50] =	vst v36  }
0xbd: {  	v38 =	vor.u32 $0x100, v4;
	v9 =	vld.idx.msk [tilespmem:v9+s16+$0x0], $0xffff  }
0xbe: {  	v20 =	vor.u32 $0x80, v7;
	[tilespmem:s1+$0xFFFFBFD0] =	vst v13;
	v13 =	vld.idx.msk [tilespmem:v11+s16+$0x0], $0xffff  }
0xbf: {  	v21 =	vor.u32 $0x100, v8;
	v14 =	vld.idx.msk [tilespmem:v14+s16+$0x0], $0xffff;
	[tilespmem:s31+$0xFFFFBFE0] =	vst v12  }
0xc0: {  	v12 =	vor.u32 $0x80, v11;
	v2 =	vld.idx.msk [tilespmem:v2+s16+$0x0], $0xffff;
	[tilespmem:s30+$0xFFFFBFF0] =	vst v15  }
0xc1: {  	v1 =	vor.u32 $0x180, v1;
	v15 =	vld.idx.msk [tilespmem:v37+s16+$0x0], $0xffff;
	[tilespmem:s29+$0xFFFFC000] =	vst v16  }
0xc2: {  	v3 =	vor.u32 $0x180, v3;
	[tilespmem:s31+$0xFFFF9F60] =	vst v17;
	v16 =	vld.idx.msk [tilespmem:v38+s16+$0x0], $0xffff  }
0xc3: {  	[tilespmem:s1+$0xFFFFBF50] =	vst v9;
	v9 =	vld.idx.msk [tilespmem:v20+s16+$0x0], $0xffff  }
0xc4: {  	v5 =	vor.u32 $0x180, v5;
	v39 =	vld.idx.msk [tilespmem:v21+s16+$0x0], $0xffff;
	[tilespmem:s30+$0xFFFF9F70] =	vst v13  }
0xc5: {  	v17 =	vor.u32 $0x100, v7;
	[tilespmem:s1+$0xFFFFDFD0] =	vst v14;
	v12 =	vld.idx.msk [tilespmem:v12+s16+$0x0], $0xffff  }
0xc6: {  	v1 =	vld.idx.msk [tilespmem:v1+s16+$0x0], $0xffff;
	[tilespmem:s31+$0xFFFFDFE0] =	vst v2  }
0xc7: {  	s9 =	simm.s32 $0x2A0;
	v2 =	vor.u32 $0x180, v8;
	v3 =	vld.idx.msk [tilespmem:v3+s16+$0x0], $0xffff  }
0xc8: {  	[tilespmem:s30+$0xFFFFDFF0] =	vst v15;
	v15 =	vld [tilespmem:s9+$0xFFFFFFE0]  }
0xc9: {  	v5 =	vld.idx.msk [tilespmem:v5+s16+$0x0], $0xffff;
	[tilespmem:s31+$0xFFFFBF60] =	vst v9  }
0xca: {  	v8 =	vld.idx.msk [tilespmem:v17+s16+$0x0], $0xffff  }
0xcb: {  	s11 =	simm.s32 $0x240;
	v7 =	vor.u32 $0x180, v7;
	v9 =	vld [tilespmem:s9+$0x20];
	[tilespmem:s1+$0xFFFFDF50] =	vst v39  }
0xcc: {  	s14 =	sor.u32 $0x50, s11;
	v4 =	vor.u32 $0x180, v4;
	[tilespmem:s1+$0xFFFFFFD0] =	vst v1;
	v14 =	vld.idx.msk [tilespmem:v2+s16+$0x0], $0xffff  }
0xcd: {  	s19 =	sor.u32 $0x60, s2;
	v13 =	vld [tilespmem:s14+$0x0];
	[tilespmem:s31+$0xFFFFFFE0] =	vst v3  }
0xce: {  	s13 =	sor.u32 $0x70, s13;
	[tilespmem:s30+$0xFFFFFFF0] =	vst v5;
	v3 =	vld [tilespmem:s19+$0x0]  }
0xcf: {  	v1 =	vshll.u32 v10, $0x2;
	v2 =	vand.u32 $0x7F, v10;
	v5 =	vor.u32 $0x100, v11;
	v10 =	vld [tilespmem:s13+$0x0];
	[tilespmem:s31+$0xFFFFDF60] =	vst v8  }
0xd0: {  	[tilespmem:s29+$0xFFFFE000] =	vst v16;
	v1 =	vand.u32 $0xFFFFFE00, v1;
	v8 =	vand.u32 $0x7F, v9;
	v9 =	vshll.u32 v9, $0x2;
	v7 =	vld.idx.msk [tilespmem:v7+s16+$0x0], $0xffff  }
0xd1: {  	v1 =	vor.u32 v2, v1;
	v2 =	vld.idx.msk [tilespmem:v4+s16+$0x0], $0xffff;
	v4 =	vand.u32 $0xFFFFFE00, v9  }
0xd2: {  	[tilespmem:s1+$0xFFFFFF50] =	vst v14;
	v4 =	vor.u32 v8, v4;
	v16 =	vshll.u32 v13, $0x2  }
0xd3: {  	[tilespmem:s30+$0xFFFFBF70] =	vst v12;
	v14 =	vshll.u32 v15, $0x2;
	v9 =	vand.u32 $0x7F, v13;
	v12 =	vld [tilespmem:s5+$0xFFFFFFF0];
	v13 =	vand.u32 $0xFFFFFE00, v16  }
0xd4: {  	[tilespmem:s29+$0xFFFFFF70] =	vst v6;
	v5 =	vld.idx.msk [tilespmem:v5+s16+$0x0], $0xffff;
	v8 =	vor.u32 v9, v13;
	v9 =	vshll.u32 v3, $0x2;
	v3 =	vand.u32 $0x7F, v3  }
0xd5: {  	v13 =	vld [tilespmem:s8+$0x10];
	v6 =	vand.u32 $0xFFFFFE00, v9;
	v9 =	vshll.u32 v10, $0x2;
	[tilespmem:s31+$0xFFFFFF60] =	vst v7;
	v7 =	vor.u32 $0x180, v11  }
0xd6: {  	v3 =	vor.u32 v3, v6;
	v6 =	vand.u32 $0x7F, v10;
	v9 =	vand.u32 $0xFFFFFE00, v9;
	v10 =	vld.idx.msk [tilespmem:v1+s16+$0x0], $0xffff  }
0xd7: {  	v11 =	vand.u32 $0xFFFFFE00, v14;
	v14 =	vld [tilespmem:s0+$0x0];
	v6 =	vor.u32 v6, v9;
	v9 =	vand.u32 $0x7F, v15  }
0xd8: {  	v9 =	vor.u32 v9, v11;
	v11 =	vld.idx.msk [tilespmem:v4+s16+$0x0], $0xffff  }
0xd9: {  	v15 =	vor.u32 $0x80, v1;
	[tilespmem:s30+$0xFFFFDF70] =	vst v5;
	v16 =	vld.idx.msk [tilespmem:v8+s16+$0x0], $0xffff  }
0xda: {  	v17 =	vor.u32 $0x80, v4;
	v7 =	vld.idx.msk [tilespmem:v7+s16+$0x0], $0xffff  }
0xdb: {  	v5 =	vor.u32 $0x80, v8;
	v40 =	vld.idx.msk [tilespmem:v3+s16+$0x0], $0xffff  }
0xdc: {  	v42 =	vshll.u32 v12, $0x2;
	v43 =	vor.u32 $0x80, v3;
	v41 =	vld.idx.msk [tilespmem:v6+s16+$0x0], $0xffff  }
0xdd: {  	s8 =	simm.s32 $0xB9B0;
	v12 =	vand.u32 $0x7F, v12;
	v20 =	vand.u32 $0xFFFFFE00, v42;
	v22 =	vor.u32 $0x80, v6;
	[tilespmem:s28+$0xFFFF9F80] =	vst v10;
	v10 =	vld.idx.msk [tilespmem:v9+s16+$0x0], $0xffff  }
0xde: {  	v12 =	vor.u32 v12, v20;
	v44 =	vshll.u32 v14, $0x2;
	[tilespmem:s8+$0xFFFF9FD0] =	vst v11;
	v11 =	vld.idx.msk [tilespmem:v15+s16+$0x0], $0xffff  }
0xdf: {  	v14 =	vand.u32 $0x7F, v14;
	v20 =	vand.u32 $0xFFFFFE00, v44;
	v15 =	vor.u32 $0x80, v9;
	v17 =	vld.idx.msk [tilespmem:v17+s16+$0x0], $0xffff;
	[tilespmem:s1+$0xFFFF9FE0] =	vst v16  }
0xe0: {  	v14 =	vor.u32 v14, v20;
	v5 =	vld.idx.msk [tilespmem:v5+s16+$0x0], $0xffff;
	[tilespmem:s31+$0xFFFF9FF0] =	vst v40  }
0xe1: {  	v16 =	vor.u32 $0x100, v4;
	v18 =	vld.idx.msk [tilespmem:v43+s16+$0x0], $0xffff;
	[tilespmem:s30+$0xFFFFA000] =	vst v41  }
0xe2: {  	v45 =	vor.u32 $0x100, v8;
	v46 =	vld.idx.msk [tilespmem:v22+s16+$0x0], $0xffff  }
0xe3: {  	v47 =	vor.u32 $0x100, v3;
	[tilespmem:s8+$0xFFFF9F50] =	vst v10;
	v10 =	vld.idx.msk [tilespmem:v12+s16+$0x0], $0xffff  }
0xe4: {  	v48 =	vor.u32 $0x100, v6;
	v15 =	vld.idx.msk [tilespmem:v15+s16+$0x0], $0xffff  }
0xe5: {  	v23 =	vor.u32 $0x80, v12;
	[tilespmem:s8+$0xFFFFBFD0] =	vst v17;
	v17 =	vld.idx.msk [tilespmem:v14+s16+$0x0], $0xffff  }
0xe6: {  	v24 =	vor.u32 $0x100, v9;
	v16 =	vld.idx.msk [tilespmem:v16+s16+$0x0], $0xffff;
	[tilespmem:s1+$0xFFFFBFE0] =	vst v5  }
0xe7: {  	v5 =	vor.u32 $0x80, v14;
	v19 =	vld.idx.msk [tilespmem:v45+s16+$0x0], $0xffff;
	[tilespmem:s31+$0xFFFFBFF0] =	vst v18  }
0xe8: {  	v4 =	vor.u32 $0x180, v4;
	v18 =	vld.idx.msk [tilespmem:v47+s16+$0x0], $0xffff;
	[tilespmem:s30+$0xFFFFC000] =	vst v46  }
0xe9: {  	[tilespmem:s1+$0xFFFF9F60] =	vst v10;
	v10 =	vld.idx.msk [tilespmem:v48+s16+$0x0], $0xffff  }
0xea: {  	v8 =	vor.u32 $0x180, v8;
	[tilespmem:s8+$0xFFFFBF50] =	vst v15;
	v15 =	vld.idx.msk [tilespmem:v23+s16+$0x0], $0xffff  }
0xeb: {  	v3 =	vor.u32 $0x180, v3;
	[tilespmem:s31+$0xFFFF9F70] =	vst v17;
	v50 =	vld.idx.msk [tilespmem:v24+s16+$0x0], $0xffff  }
0xec: {  	v49 =	vor.u32 $0x100, v12;
	[tilespmem:s8+$0xFFFFDFD0] =	vst v16;
	v5 =	vld.idx.msk [tilespmem:v5+s16+$0x0], $0xffff  }
0xed: {  	s13 =	simm.s32 $0x320;
	v9 =	vor.u32 $0x180, v9;
	v4 =	vld.idx.msk [tilespmem:v4+s16+$0x0], $0xffff  }
0xee: {  	v16 =	vld [tilespmem:s13+$0x20];
	[tilespmem:s1+$0xFFFFDFE0] =	vst v19  }
0xef: {  	v6 =	vor.u32 $0x180, v6;
	v8 =	vld.idx.msk [tilespmem:v8+s16+$0x0], $0xffff;
	[tilespmem:s31+$0xFFFFDFF0] =	vst v18  }
0xf0: {  	v3 =	vld.idx.msk [tilespmem:v3+s16+$0x0], $0xffff;
	[tilespmem:s1+$0xFFFFBF60] =	vst v15  }
0xf1: {  	s23 =	simm.s32 $0x2C0;
	[tilespmem:s8+$0xFFFFDF50] =	vst v50;
	v15 =	vld.idx.msk [tilespmem:v49+s16+$0x0], $0xffff  }
0xf2: {  	s22 =	sor.u32 $0x50, s23;
	v9 =	vld.idx.msk [tilespmem:v9+s16+$0x0], $0xffff;
	[tilespmem:s8+$0xFFFFFFD0] =	vst v4  }
0xf3: {  	[tilespmem:s30+$0xFFFFE000] =	vst v10;
	v4 =	vor.u32 $0x180, v12;
	v10 =	vld [tilespmem:s22+$0x0]  }
0xf4: {  	s24 =	sor.u32 $0x60, s11;
	v6 =	vld.idx.msk [tilespmem:v6+s16+$0x0], $0xffff;
	v12 =	vor.u32 $0x100, v14;
	[tilespmem:s1+$0xFFFFFFE0] =	vst v8;
	v8 =	vshll.u32 v13, $0x2  }
0xf5: {  	v13 =	vand.u32 $0x7F, v13;
	v8 =	vand.u32 $0xFFFFFE00, v8;
	[tilespmem:s31+$0xFFFFFFF0] =	vst v3;
	v3 =	vld [tilespmem:s24+$0x0]  }
0xf6: {  	s2 =	sor.u32 $0x70, s2;
	[tilespmem:s31+$0xFFFFBF70] =	vst v5;
	v8 =	vor.u32 v13, v8;
	v13 =	vld [tilespmem:s13+$0xFFFFFFE0]  }
0xf7: {  	v51 =	vor.u32 $0x100, v1;
	v17 =	vld [tilespmem:s2+$0x0];
	[tilespmem:s1+$0xFFFFDF60] =	vst v15  }
0xf8: {  	v15 =	vshll.u32 v16, $0x2;
	[tilespmem:s8+$0xFFFFFF50] =	vst v9;
	v4 =	vld.idx.msk [tilespmem:v4+s16+$0x0], $0xffff;
	v9 =	vand.u32 $0x7F, v16;
	v16 =	vshll.u32 v10, $0x2  }
0xf9: {  	[tilespmem:s30+$0xFFFFFF70] =	vst v7;
	v15 =	vand.u32 $0xFFFFFE00, v15;
	v7 =	vld.idx.msk [tilespmem:v12+s16+$0x0], $0xffff;
	v10 =	vand.u32 $0x7F, v10;
	v16 =	vand.u32 $0xFFFFFE00, v16  }
0xfa: {  	[tilespmem:s29+$0x0] =	vst v2;
	v2 =	vor.u32 $0x80, v8;
	v5 =	vld [tilespmem:s9+$0xFFFFFFF0];
	v9 =	vor.u32 v9, v15;
	v10 =	vor.u32 v10, v16  }
0xfb: {  	[tilespmem:s28+$0xFFFFBF80] =	vst v11;
	v12 =	vshll.u32 v3, $0x2;
	v3 =	vand.u32 $0x7F, v3;
	v11 =	vld.idx.msk [tilespmem:v8+s16+$0x0], $0xffff;
	v52 =	vshll.u32 v13, $0x2  }
0xfc: {  	v15 =	vld [tilespmem:s26+$0x10];
	v13 =	vand.u32 $0x7F, v13;
	v12 =	vand.u32 $0xFFFFFE00, v12;
	v16 =	vshll.u32 v17, $0x2  }
0xfd: {  	v3 =	vor.u32 v3, v12;
	v12 =	vand.u32 $0x7F, v17;
	v16 =	vand.u32 $0xFFFFFE00, v16;
	v17 =	vld.idx.msk [tilespmem:v51+s16+$0x0], $0xffff;
	[tilespmem:s1+$0xFFFFFF60] =	vst v4  }
0xfe: {  	v4 =	vor.u32 v12, v16;
	v12 =	vor.u32 $0x180, v14;
	v14 =	vand.u32 $0xFFFFFE00, v52;
	v16 =	vld [tilespmem:s5+$0x0]  }
0xff: {  	[tilespmem:s28+$0x0] =	vst v0;
	v0 =	vor.u32 v13, v14;
	v13 =	vld.idx.msk [tilespmem:v9+s16+$0x0], $0xffff  }
0x100: {  	v14 =	vld.idx.msk [tilespmem:v10+s16+$0x0], $0xffff;
	[tilespmem:s29+$0xFFFF9F80] =	vst v11  }
0x101: {  	[tilespmem:s30+$0x0] =	vst v6;
	v6 =	vor.u32 $0x80, v9;
	v2 =	vld.idx.msk [tilespmem:v2+s16+$0x0], $0xffff  }
0x102: {  	[tilespmem:s31+$0xFFFFDF70] =	vst v7;
	v7 =	vor.u32 $0x80, v10;
	v53 =	vld.idx.msk [tilespmem:v3+s16+$0x0], $0xffff  }
0x103: {  	v55 =	vshll.u32 v5, $0x2;
	v11 =	vor.u32 $0x80, v3;
	v54 =	vld.idx.msk [tilespmem:v4+s16+$0x0], $0xffff  }
0x104: {  	s19 =	simm.s32 $0xBAB0;
	v5 =	vand.u32 $0x7F, v5;
	v20 =	vand.u32 $0xFFFFFE00, v55;
	v56 =	vor.u32 $0x80, v4;
	[tilespmem:s28+$0xFFFFDF80] =	vst v17;
	v12 =	vld.idx.msk [tilespmem:v12+s16+$0x0], $0xffff  }
0x105: {  	v5 =	vor.u32 v5, v20;
	v57 =	vshll.u32 v16, $0x2;
	v17 =	vld.idx.msk [tilespmem:v0+s16+$0x0], $0xffff;
	[tilespmem:s19+$0xFFFF9FD0] =	vst v13  }
0x106: {  	v16 =	vand.u32 $0x7F, v16;
	v13 =	vor.u32 $0x80, v0;
	v20 =	vand.u32 $0xFFFFFE00, v57;
	v6 =	vld.idx.msk [tilespmem:v6+s16+$0x0], $0xffff;
	[tilespmem:s8+$0xFFFF9FE0] =	vst v14  }
0x107: {  	v16 =	vor.u32 v16, v20;
	v7 =	vld.idx.msk [tilespmem:v7+s16+$0x0], $0xffff;
	[tilespmem:s1+$0xFFFF9FF0] =	vst v53  }
0x108: {  	v14 =	vor.u32 $0x100, v9;
	v11 =	vld.idx.msk [tilespmem:v11+s16+$0x0], $0xffff;
	[tilespmem:s31+$0xFFFFA000] =	vst v54  }
0x109: {  	v58 =	vor.u32 $0x100, v10;
	[tilespmem:s31+$0xFFFFFF70] =	vst v12;
	v12 =	vld.idx.msk [tilespmem:v56+s16+$0x0], $0xffff  }
0x10a: {  	v59 =	vor.u32 $0x100, v3;
	[tilespmem:s19+$0xFFFF9F50] =	vst v17;
	v17 =	vld.idx.msk [tilespmem:v5+s16+$0x0], $0xffff  }
0x10b: {  	v60 =	vor.u32 $0x100, v4;
	[tilespmem:s29+$0xFFFFBF80] =	vst v2;
	v13 =	vld.idx.msk [tilespmem:v13+s16+$0x0], $0xffff  }
0x10c: {  	v2 =	vor.u32 $0x80, v5;
	[tilespmem:s19+$0xFFFFBFD0] =	vst v6;
	v6 =	vld.idx.msk [tilespmem:v16+s16+$0x0], $0xffff  }
0x10d: {  	v61 =	vor.u32 $0x100, v0;
	v14 =	vld.idx.msk [tilespmem:v14+s16+$0x0], $0xffff;
	[tilespmem:s8+$0xFFFFBFE0] =	vst v7  }
0x10e: {  	v7 =	vor.u32 $0x80, v16;
	v18 =	vld.idx.msk [tilespmem:v58+s16+$0x0], $0xffff;
	[tilespmem:s1+$0xFFFFBFF0] =	vst v11  }
0x10f: {  	v9 =	vor.u32 $0x180, v9;
	v11 =	vld.idx.msk [tilespmem:v59+s16+$0x0], $0xffff;
	[tilespmem:s31+$0xFFFFC000] =	vst v12  }
0x110: {  	v10 =	vor.u32 $0x180, v10;
	[tilespmem:s8+$0xFFFF9F60] =	vst v17;
	v17 =	vld.idx.msk [tilespmem:v60+s16+$0x0], $0xffff  }
0x111: {  	[tilespmem:s19+$0xFFFFBF50] =	vst v13;
	v13 =	vld.idx.msk [tilespmem:v2+s16+$0x0], $0xffff;
	v2 =	vor.u32 $0x180, v3  }
0x112: {  	v4 =	vor.u32 $0x180, v4;
	[tilespmem:s1+$0xFFFF9F70] =	vst v6;
	v3 =	vld.idx.msk [tilespmem:v61+s16+$0x0], $0xffff  }
0x113: {  	v6 =	vor.u32 $0x100, v5;
	[tilespmem:s19+$0xFFFFDFD0] =	vst v14;
	v62 =	vld.idx.msk [tilespmem:v7+s16+$0x0], $0xffff  }
0x114: {  	v63 =	vor.u32 $0x180, v0;
	v14 =	vld.idx.msk [tilespmem:v9+s16+$0x0], $0xffff;
	[tilespmem:s8+$0xFFFFDFE0] =	vst v18  }
0x115: {  	v0 =	vshll.u32 v15, $0x2;
	v12 =	vld.idx.msk [tilespmem:v10+s16+$0x0], $0xffff;
	[tilespmem:s1+$0xFFFFDFF0] =	vst v11  }
0x116: {  	v1 =	vor.u32 $0x180, v1;
	v7 =	vand.u32 $0xFFFFFE00, v0;
	v9 =	vand.u32 $0x7F, v15;
	v11 =	vld.idx.msk [tilespmem:v2+s16+$0x0], $0xffff;
	[tilespmem:s31+$0xFFFFE000] =	vst v17  }
0x117: {  	v0 =	vor.u32 $0x180, v8;
	v7 =	vor.u32 v9, v7;
	v10 =	vor.u32 $0x180, v5;
	[tilespmem:s8+$0xFFFFBF60] =	vst v13;
	v9 =	vld.idx.msk [tilespmem:v4+s16+$0x0], $0xffff  }
0x118: {  	s14 =	simm.s32 $0x3A0;
	s22 =	simm.s32 $0xC;
	v5 =	vor.u32 $0x100, v7;
	v2 =	vor.u32 $0x100, v8;
	v8 =	vor.u32 $0x100, v16;
	[tilespmem:s19+$0xFFFFDF50] =	vst v3;
	v13 =	vld.idx.msk [tilespmem:v6+s16+$0x0], $0xffff  }
0x119: {  	s24 =	simm.s32 $0xBAB0;
	s2 =	simm.s32 $0x340;
	s26 =	sshll.u32 s25, $0x3;
	v4 =	vor.u32 $0x80, v7;
	v6 =	vor.u32 $0x180, v16;
	v3 =	vor.u32 $0x180, v7;
	[tilespmem:s1+$0xFFFFBF70] =	vst v62;
	v15 =	vld.idx.msk [tilespmem:v63+s16+$0x0], $0xffff  }
.LBB2_3:
0x11a: {  	v16 =	vld [tilespmem:s14+$0x20];
	[tilespmem:s19+$0xFFFFFFD0] =	vst v14;
	s15 =	sor.u32 $0x50, s2  }
0x11b: {  	v14 =	vld [tilespmem:s15+$0x0];
	[tilespmem:s8+$0xFFFFFFE0] =	vst v12  }
0x11c: {  	s15 =	sor.u32 $0x60, s23;
	v12 =	vld [tilespmem:s14+$0xFFFFFFE0];
	[tilespmem:s1+$0xFFFFFFF0] =	vst v11  }
0x11d: {  	v11 =	vld [tilespmem:s15+$0x0];
	s15 =	sor.u32 $0x70, s11;
	[tilespmem:s31+$0x0] =	vst v9;
	s11 =	smov.u32 s23;
	s23 =	smov.u32 s2  }
0x11e: {  	s22 =	sadd.s32 $0x2, s22;
	[tilespmem:s8+$0xFFFFDF60] =	vst v13;
	v9 =	vld [tilespmem:s15+$0x0]  }
0x11f: {  	p1 =	slt.u32 s22, $0x3E;
	[tilespmem:s19+$0xFFFFFF50] =	vst v15;
	v10 =	vld.idx.msk [tilespmem:v10+s16+$0x0], $0xffff  }
0x120: {  	v13 =	vand.u32 $0x7F, v16;
	v15 =	vshll.u32 v16, $0x2;
	v16 =	vld [tilespmem:s13+$0xFFFFFFF0];
	v17 =	vshll.u32 v14, $0x2  }
0x121: {  	v15 =	vand.u32 $0xFFFFFE00, v15;
	v14 =	vand.u32 $0x7F, v14;
	v17 =	vand.u32 $0xFFFFFE00, v17;
	v8 =	vld.idx.msk [tilespmem:v8+s16+$0x0], $0xffff  }
0x122: {  	v13 =	vor.u32 v13, v15;
	v14 =	vor.u32 v14, v17;
	v15 =	vshll.u32 v11, $0x2;
	v17 =	vld [tilespmem:s0+$0x10];
	s0 =	smov.u32 s5;
	s5 =	smov.u32 s9;
	s9 =	smov.u32 s13  }
0x123: {  	v11 =	vand.u32 $0x7F, v11;
	s13 =	smov.u32 s14;
	v15 =	vand.u32 $0xFFFFFE00, v15;
	v18 =	vshll.u32 v9, $0x2;
	v7 =	vld.idx.msk [tilespmem:v7+s16+$0x0], $0xffff  }
0x124: {  	v9 =	vand.u32 $0x7F, v9;
	v11 =	vor.u32 v11, v15;
	v15 =	vand.u32 $0xFFFFFE00, v18;
	v18 =	vld.idx.msk [tilespmem:v2+s16+$0x0], $0xffff;
	v2 =	vmovc v5  }
0x125: {  	v5 =	vand.u32 $0x7F, v12;
	v12 =	vshll.u32 v12, $0x2;
	[tilespmem:s8+$0xFFFFFF60] =	vst v10;
	v9 =	vor.u32 v9, v15;
	v15 =	vld.idx.msk [tilespmem:v1+s16+$0x0], $0xffff;
	v1 =	vmovc v0  }
0x126: {  	v10 =	vand.u32 $0xFFFFFE00, v12;
	v12 =	vand.u32 $0x7F, v16;
	v16 =	vshll.u32 v16, $0x2;
	v0 =	vmovc v3;
	v19 =	vld [tilespmem:s5+$0x0]  }
0x127: {  	v3 =	vor.u32 v5, v10;
	v10 =	vand.u32 $0xFFFFFE00, v16;
	v5 =	vld.idx.msk [tilespmem:v13+s16+$0x0], $0xffff;
	[tilespmem:s1+$0xFFFFDF70] =	vst v8;
	v8 =	vshll.u32 v17, $0x2  }
0x128: {  	v16 =	vor.u32 $0x80, v3;
	v20 =	vor.u32 $0x100, v3;
	v21 =	vor.u32 $0x180, v3;
	v22 =	vld.idx.msk [tilespmem:v14+s16+$0x0], $0xffff  }
0x129: {  	v23 =	vor.u32 $0x80, v13;
	v12 =	vor.u32 v12, v10;
	v25 =	vand.u32 $0xFFFFFE00, v8;
	v24 =	vld.idx.msk [tilespmem:v11+s16+$0x0], $0xffff;
	[tilespmem:s30+$0xFFFF9F80] =	vst v7  }
0x12a: {  	v26 =	vor.u32 $0x80, v12;
	v27 =	vor.u32 $0x100, v12;
	v7 =	vor.u32 $0x80, v14;
	v28 =	vld.idx.msk [tilespmem:v9+s16+$0x0], $0xffff;
	[tilespmem:s29+$0xFFFFDF80] =	vst v18  }
0x12b: {  	v10 =	vor.u32 $0x180, v12;
	v18 =	vor.u32 $0x80, v11;
	v8 =	vshll.u32 v19, $0x2;
	v29 =	vld.idx.msk [tilespmem:v6+s16+$0x0], $0xffff;
	[tilespmem:s28+$0xFFFFFF80] =	vst v15;
	s28 =	smov.u32 s29;
	s29 =	smov.u32 s30;
	s30 =	smov.u32 s31  }
0x12c: {  	s19 =	sadd.s32 $0x100, s19;
	s31 =	smov.u32 s1;
	s1 =	smov.u32 s8;
	v15 =	vld.idx.msk [tilespmem:v3+s16+$0x0], $0xffff;
	v3 =	vand.u32 $0x7F, v19;
	v6 =	vand.u32 $0xFFFFFE00, v8;
	v19 =	vor.u32 $0x80, v9  }
0x12d: {  	s8 =	smov.u32 s24;
	s24 =	smov.u32 s19;
	[tilespmem:s19+$0xFFFF9FD0] =	vst v5;
	v30 =	vor.u32 v3, v6;
	v3 =	vand.u32 $0x7F, v17;
	v17 =	vld.idx.msk [tilespmem:v4+s16+$0x0], $0xffff  }
0x12e: {  	v23 =	vld.idx.msk [tilespmem:v23+s16+$0x0], $0xffff;
	[tilespmem:s8+$0xFFFF9FE0] =	vst v22;
	v22 =	vor.u32 $0x80, v30;
	v8 =	vor.u32 $0x100, v30;
	v6 =	vor.u32 $0x180, v30  }
0x12f: {  	v31 =	vld.idx.msk [tilespmem:v7+s16+$0x0], $0xffff;
	[tilespmem:s1+$0xFFFF9FF0] =	vst v24;
	v7 =	vor.u32 v3, v25  }
0x130: {  	v24 =	vor.u32 $0x100, v13;
	v18 =	vld.idx.msk [tilespmem:v18+s16+$0x0], $0xffff;
	[tilespmem:s31+$0xFFFFA000] =	vst v28;
	v4 =	vor.u32 $0x80, v7;
	v5 =	vor.u32 $0x100, v7  }
0x131: {  	v25 =	vor.u32 $0x100, v14;
	v3 =	vor.u32 $0x180, v7;
	[tilespmem:s31+$0xFFFFFF70] =	vst v29;
	v19 =	vld.idx.msk [tilespmem:v19+s16+$0x0], $0xffff  }
0x132: {  	[tilespmem:s19+$0xFFFF9F50] =	vst v15;
	v12 =	vld.idx.msk [tilespmem:v12+s16+$0x0], $0xffff;
	v15 =	vor.u32 $0x100, v11  }
0x133: {  	v28 =	vor.u32 $0x100, v9;
	v16 =	vld.idx.msk [tilespmem:v16+s16+$0x0], $0xffff;
	[tilespmem:s29+$0xFFFFBF80] =	vst v17  }
0x134: {  	[tilespmem:s19+$0xFFFFBFD0] =	vst v23;
	v17 =	vld.idx.msk [tilespmem:v30+s16+$0x0], $0xffff  }
0x135: {  	v23 =	vld.idx.msk [tilespmem:v24+s16+$0x0], $0xffff;
	[tilespmem:s8+$0xFFFFBFE0] =	vst v31  }
0x136: {  	v24 =	vld.idx.msk [tilespmem:v25+s16+$0x0], $0xffff;
	[tilespmem:s1+$0xFFFFBFF0] =	vst v18  }
0x137: {  	v13 =	vor.u32 $0x180, v13;
	v15 =	vld.idx.msk [tilespmem:v15+s16+$0x0], $0xffff;
	[tilespmem:s31+$0xFFFFC000] =	vst v19  }
0x138: {  	[tilespmem:s8+$0xFFFF9F60] =	vst v12;
	v12 =	vor.u32 $0x180, v14;
	v18 =	vld.idx.msk [tilespmem:v28+s16+$0x0], $0xffff  }
0x139: {  	v11 =	vor.u32 $0x180, v11;
	[tilespmem:s19+$0xFFFFBF50] =	vst v16;
	v16 =	vld.idx.msk [tilespmem:v26+s16+$0x0], $0xffff  }
0x13a: {  	v9 =	vor.u32 $0x180, v9;
	v19 =	vld.idx.msk [tilespmem:v20+s16+$0x0], $0xffff;
	[tilespmem:s1+$0xFFFF9F70] =	vst v17  }
0x13b: {  	[tilespmem:s19+$0xFFFFDFD0] =	vst v23;
	v17 =	vld.idx.msk [tilespmem:v22+s16+$0x0], $0xffff  }
0x13c: {  	v14 =	vld.idx.msk [tilespmem:v13+s16+$0x0], $0xffff;
	[tilespmem:s8+$0xFFFFDFE0] =	vst v24  }
.Ltmp2:
0x13d: {  	v12 =	vld.idx.msk [tilespmem:v12+s16+$0x0], $0xffff;
	[tilespmem:s1+$0xFFFFDFF0] =	vst v15;
	(pc) =	sbr.rel @p1 .LBB2_3-.Ltmp2, $4  }
0x13e: {  	v11 =	vld.idx.msk [tilespmem:v11+s16+$0x0], $0xffff;
	[tilespmem:s31+$0xFFFFE000] =	vst v18  }
0x13f: {  	[tilespmem:s8+$0xFFFFBF60] =	vst v16;
	v9 =	vld.idx.msk [tilespmem:v9+s16+$0x0], $0xffff  }
0x140: {  	[tilespmem:s19+$0xFFFFDF50] =	vst v19;
	v13 =	vld.idx.msk [tilespmem:v27+s16+$0x0], $0xffff  }
0x141: {  	s2 =	sadd.s32 $0x80, s2;
	s14 =	sadd.s32 $0x80, s14;
	v15 =	vld.idx.msk [tilespmem:v21+s16+$0x0], $0xffff;
	[tilespmem:s1+$0xFFFFBF70] =	vst v17  }
0x142: {  	_ =	sdelay $0x1  }
0x143: {  	[tilespmem:s19+$0xFFFFFFD0] =	vst v14;
	s14 =	sor.u32 $0x50, s2  }
0x144: {  	v14 =	vld [tilespmem:s14+$0x0]  }
0x145: {  	[tilespmem:s19+$0xFFFFFF50] =	vst v15  }
0x146: {  	v15 =	vld [tilespmem:s13+$0xFFFFFFF0];
	_ =	sdelay $0x2  }
0x147: {  	v16 =	vshll.u32 v14, $0x2  }
0x148: {  	v14 =	vand.u32 $0x7F, v14;
	v16 =	vand.u32 $0xFFFFFE00, v16  }
0x149: {  	v14 =	vor.u32 v14, v16;
	v32 =	vshll.u32 v15, $0x2  }
0x14a: {  	v15 =	vand.u32 $0x7F, v15;
	v16 =	vand.u32 $0xFFFFFE00, v32  }
0x14b: {  	v15 =	vor.u32 v15, v16;
	_ =	sdelay $0x2  }
0x14c: {  	v33 =	vld.idx.msk [tilespmem:v14+s16+$0x0], $0xffff  }
0x14d: {  	v17 =	vor.u32 $0x80, v14  }
0x14e: {  	v18 =	vld.idx.msk [tilespmem:v15+s16+$0x0], $0xffff  }
0x14f: {  	v19 =	vor.u32 $0x80, v15;
	_ =	sdelay $0x1  }
0x150: {  	[tilespmem:s24+$0xFFFF9FE0] =	vst v33  }
0x151: {  	v16 =	vld.idx.msk [tilespmem:v17+s16+$0x0], $0xffff  }
0x152: {  	v34 =	vor.u32 $0x100, v14;
	[tilespmem:s24+$0xFFFF9F60] =	vst v18  }
0x153: {  	v18 =	vld.idx.msk [tilespmem:v19+s16+$0x0], $0xffff  }
0x154: {  	v35 =	vor.u32 $0x100, v15;
	_ =	sdelay $0x1  }
0x155: {  	[tilespmem:s24+$0xFFFFBFE0] =	vst v16  }
0x156: {  	v16 =	vld.idx.msk [tilespmem:v34+s16+$0x0], $0xffff  }
0x157: {  	v14 =	vor.u32 $0x180, v14;
	[tilespmem:s24+$0xFFFFBF60] =	vst v18  }
0x158: {  	v36 =	vld.idx.msk [tilespmem:v35+s16+$0x0], $0xffff  }
0x159: {  	[tilespmem:s8+$0xFFFFFFE0] =	vst v12;
	s15 =	sor.u32 $0x60, s23;
	v15 =	vor.u32 $0x180, v15  }
0x15a: {  	v37 =	vld [tilespmem:s15+$0x0];
	[tilespmem:s8+$0xFFFFDF60] =	vst v13  }
0x15b: {  	v10 =	vld.idx.msk [tilespmem:v10+s16+$0x0], $0xffff;
	[tilespmem:s24+$0xFFFFDFE0] =	vst v16  }
0x15c: {  	v14 =	vld.idx.msk [tilespmem:v14+s16+$0x0], $0xffff  }
0x15d: {  	[tilespmem:s24+$0xFFFFDF60] =	vst v36  }
0x15e: {  	v39 =	vld.idx.msk [tilespmem:v15+s16+$0x0], $0xffff  }
0x15f: {  	v38 =	vshll.u32 v37, $0x2  }
0x160: {  	v40 =	vand.u32 $0x7F, v37;
	v12 =	vand.u32 $0xFFFFFE00, v38;
	[tilespmem:s8+$0xFFFFFF60] =	vst v10  }
0x161: {  	s19 =	sor.u32 $0x60, s2;
	v12 =	vor.u32 v40, v12;
	v10 =	vld [tilespmem:s9+$0x0];
	[tilespmem:s24+$0xFFFFFFE0] =	vst v14  }
0x162: {  	v14 =	vld [tilespmem:s19+$0x0]  }
0x163: {  	[tilespmem:s24+$0xFFFFFF60] =	vst v39  }
0x164: {  	v13 =	vld [tilespmem:s13+$0x0];
	_ =	sdelay $0x1  }
0x165: {  	v15 =	vld.idx.msk [tilespmem:v12+s16+$0x0], $0xffff  }
0x166: {  	v42 =	vor.u32 $0x80, v12;
	v43 =	vshll.u32 v10, $0x2;
	v41 =	vshll.u32 v14, $0x2  }
0x167: {  	v10 =	vand.u32 $0x7F, v10;
	v14 =	vand.u32 $0x7F, v14;
	v16 =	vand.u32 $0xFFFFFE00, v41  }
0x168: {  	v14 =	vor.u32 v14, v16;
	v16 =	vand.u32 $0xFFFFFE00, v43;
	v44 =	vshll.u32 v13, $0x2  }
0x169: {  	v10 =	vor.u32 v10, v16;
	v13 =	vand.u32 $0x7F, v13;
	v45 =	vand.u32 $0xFFFFFE00, v44  }
0x16a: {  	v8 =	vld.idx.msk [tilespmem:v8+s16+$0x0], $0xffff;
	[tilespmem:s8+$0xFFFF9FF0] =	vst v15;
	v13 =	vor.u32 v13, v45  }
0x16b: {  	v46 =	vld.idx.msk [tilespmem:v42+s16+$0x0], $0xffff  }
0x16c: {  	v23 =	vld [tilespmem:s0+$0x10];
	v47 =	vor.u32 $0x100, v12  }
0x16d: {  	v48 =	vld.idx.msk [tilespmem:v14+s16+$0x0], $0xffff  }
0x16e: {  	v50 =	vor.u32 $0x80, v14;
	v51 =	vld.idx.msk [tilespmem:v10+s16+$0x0], $0xffff  }
0x16f: {  	s11 =	sor.u32 $0x70, s11;
	[tilespmem:s1+$0xFFFFFFF0] =	vst v11;
	v20 =	vor.u32 $0x80, v10;
	v52 =	vld.idx.msk [tilespmem:v13+s16+$0x0], $0xffff  }
0x170: {  	v49 =	vld [tilespmem:s11+$0x0];
	[tilespmem:s8+$0xFFFFBFF0] =	vst v46;
	v21 =	vor.u32 $0x80, v13  }
0x171: {  	v11 =	vld.idx.msk [tilespmem:v47+s16+$0x0], $0xffff  }
0x172: {  	v7 =	vld.idx.msk [tilespmem:v7+s16+$0x0], $0xffff;
	v12 =	vor.u32 $0x180, v12;
	[tilespmem:s24+$0xFFFF9FF0] =	vst v48  }
0x173: {  	v18 =	vld.idx.msk [tilespmem:v50+s16+$0x0], $0xffff;
	[tilespmem:s8+$0xFFFF9F70] =	vst v51  }
0x174: {  	v22 =	vor.u32 $0x100, v14;
	v54 =	vld.idx.msk [tilespmem:v20+s16+$0x0], $0xffff;
	[tilespmem:s24+$0xFFFF9F70] =	vst v52  }
0x175: {  	v53 =	vshll.u32 v49, $0x2;
	v55 =	vor.u32 $0x100, v10;
	v56 =	vld.idx.msk [tilespmem:v21+s16+$0x0], $0xffff  }
0x176: {  	v2 =	vld.idx.msk [tilespmem:v2+s16+$0x0], $0xffff;
	v17 =	vand.u32 $0x7F, v49;
	v15 =	vand.u32 $0xFFFFFE00, v53;
	v57 =	vor.u32 $0x100, v13;
	[tilespmem:s8+$0xFFFFDFF0] =	vst v11  }
0x177: {  	[tilespmem:s1+$0xFFFFDF70] =	vst v8;
	v15 =	vor.u32 v17, v15;
	v12 =	vld.idx.msk [tilespmem:v12+s16+$0x0], $0xffff  }
0x178: {  	v6 =	vld.idx.msk [tilespmem:v6+s16+$0x0], $0xffff;
	[tilespmem:s24+$0xFFFFBFF0] =	vst v18  }
0x179: {  	v18 =	vld.idx.msk [tilespmem:v22+s16+$0x0], $0xffff;
	[tilespmem:s8+$0xFFFFBF70] =	vst v54  }
0x17a: {  	v14 =	vor.u32 $0x180, v14;
	v16 =	vld.idx.msk [tilespmem:v55+s16+$0x0], $0xffff;
	[tilespmem:s24+$0xFFFFBF70] =	vst v56  }
0x17b: {  	v10 =	vor.u32 $0x180, v10;
	v11 =	vld.idx.msk [tilespmem:v57+s16+$0x0], $0xffff  }
0x17c: {  	s22 =	sor.u32 $0x70, s23;
	v58 =	vld.idx.msk [tilespmem:v15+s16+$0x0], $0xffff;
	v13 =	vor.u32 $0x180, v13;
	[tilespmem:s8+$0xFFFFFFF0] =	vst v12  }
0x17d: {  	[tilespmem:s30+$0xFFFF9F80] =	vst v7;
	v12 =	vld [tilespmem:s22+$0x0]  }
0x17e: {  	v4 =	vld.idx.msk [tilespmem:v4+s16+$0x0], $0xffff;
	v59 =	vor.u32 $0x80, v15;
	[tilespmem:s24+$0xFFFFDFF0] =	vst v18  }
0x17f: {  	v14 =	vld.idx.msk [tilespmem:v14+s16+$0x0], $0xffff;
	[tilespmem:s8+$0xFFFFDF70] =	vst v16  }
0x180: {  	v10 =	vld.idx.msk [tilespmem:v10+s16+$0x0], $0xffff;
	[tilespmem:s24+$0xFFFFDF70] =	vst v11  }
0x181: {  	[tilespmem:s1+$0xFFFFFF70] =	vst v6;
	v11 =	vld.idx.msk [tilespmem:v13+s16+$0x0], $0xffff  }
0x182: {  	v62 =	vld [tilespmem:s5+$0x10];
	[tilespmem:s1+$0xFFFFA000] =	vst v58;
	v61 =	vshll.u32 v12, $0x2  }
0x183: {  	[tilespmem:s30+$0xFFFFBF80] =	vst v4;
	v8 =	vld.idx.msk [tilespmem:v59+s16+$0x0], $0xffff;
	v12 =	vand.u32 $0x7F, v12;
	v6 =	vand.u32 $0xFFFFFE00, v61  }
0x184: {  	s23 =	sor.u32 $0x70, s2;
	v5 =	vld.idx.msk [tilespmem:v5+s16+$0x0], $0xffff;
	v6 =	vor.u32 v12, v6;
	[tilespmem:s24+$0xFFFFFFF0] =	vst v14  }
0x185: {  	v63 =	vld [tilespmem:s23+$0x0];
	[tilespmem:s8+$0xFFFFFF70] =	vst v10  }
0x186: {  	v25 =	vld [tilespmem:s9+$0x10];
	[tilespmem:s24+$0xFFFFFF70] =	vst v11  }
0x187: {  	v27 =	vshll.u32 v62, $0x2;
	v31 =	vand.u32 $0x7F, v62;
	v21 =	vshll.u32 v23, $0x2;
	v26 =	vld [tilespmem:s13+$0x10]  }
0x188: {  	v60 =	vor.u32 $0x100, v15;
	[tilespmem:s1+$0xFFFFC000] =	vst v8;
	v23 =	vand.u32 $0x7F, v23;
	v8 =	vand.u32 $0xFFFFFE00, v21  }
0x189: {  	v8 =	vor.u32 v23, v8;
	v30 =	vor.u32 $0x80, v6;
	v28 =	vld.idx.msk [tilespmem:v6+s16+$0x0], $0xffff;
	v11 =	vand.u32 $0xFFFFFE00, v27  }
0x18a: {  	v1 =	vld.idx.msk [tilespmem:v1+s16+$0x0], $0xffff;
	[tilespmem:s29+$0xFFFFDF80] =	vst v2;
	v11 =	vor.u32 v31, v11;
	v29 =	vshll.u32 v63, $0x2;
	v7 =	vand.u32 $0x7F, v63  }
0x18b: {  	v0 =	vld.idx.msk [tilespmem:v0+s16+$0x0], $0xffff;
	[tilespmem:s30+$0xFFFFDF80] =	vst v5;
	v17 =	vand.u32 $0xFFFFFE00, v29;
	v33 =	vshll.u32 v25, $0x2;
	v35 =	vand.u32 $0x7F, v25  }
0x18c: {  	v3 =	vld.idx.msk [tilespmem:v3+s16+$0x0], $0xffff;
	v7 =	vor.u32 v7, v17;
	v12 =	vand.u32 $0xFFFFFE00, v33;
	v36 =	vshll.u32 v26, $0x2  }
0x18d: {  	[tilespmem:s31+$0x0] =	vst v9;
	v22 =	vld.idx.msk [tilespmem:v60+s16+$0x0], $0xffff;
	v12 =	vor.u32 v35, v12;
	v10 =	vand.u32 $0x7F, v26;
	v37 =	vand.u32 $0xFFFFFE00, v36  }
0x18e: {  	v34 =	vld.idx.msk [tilespmem:v8+s16+$0x0], $0xffff;
	[tilespmem:s8+$0xFFFFA000] =	vst v28;
	v10 =	vor.u32 v10, v37  }
0x18f: {  	[tilespmem:s28+$0xFFFFFF80] =	vst v1;
	v42 =	vor.u32 $0x80, v8;
	v38 =	vld.idx.msk [tilespmem:v30+s16+$0x0], $0xffff  }
0x190: {  	[tilespmem:s29+$0xFFFFFF80] =	vst v0;
	v39 =	vor.u32 $0x100, v6;
	v43 =	vld.idx.msk [tilespmem:v11+s16+$0x0], $0xffff  }
0x191: {  	[tilespmem:s30+$0xFFFFFF80] =	vst v3;
	v44 =	vor.u32 $0x80, v11;
	v40 =	vld.idx.msk [tilespmem:v7+s16+$0x0], $0xffff  }
0x192: {  	[tilespmem:s1+$0xFFFFE000] =	vst v22;
	v41 =	vor.u32 $0x80, v7;
	v45 =	vld.idx.msk [tilespmem:v12+s16+$0x0], $0xffff  }
0x193: {  	[tilespmem:s31+$0xFFFF9F80] =	vst v34;
	v46 =	vor.u32 $0x80, v12;
	v47 =	vld.idx.msk [tilespmem:v10+s16+$0x0], $0xffff  }
0x194: {  	v51 =	vld.idx.msk [tilespmem:v42+s16+$0x0], $0xffff;
	[tilespmem:s8+$0xFFFFC000] =	vst v38;
	v48 =	vor.u32 $0x80, v10  }
0x195: {  	v53 =	vor.u32 $0x100, v8;
	v1 =	vld.idx.msk [tilespmem:v39+s16+$0x0], $0xffff;
	[tilespmem:s1+$0xFFFF9F80] =	vst v43  }
0x196: {  	v49 =	vor.u32 $0x180, v6;
	v5 =	vld.idx.msk [tilespmem:v44+s16+$0x0], $0xffff;
	[tilespmem:s24+$0xFFFFA000] =	vst v40  }
0x197: {  	v54 =	vor.u32 $0x100, v11;
	v50 =	vld.idx.msk [tilespmem:v41+s16+$0x0], $0xffff;
	[tilespmem:s8+$0xFFFF9F80] =	vst v45  }
0x198: {  	v52 =	vor.u32 $0x100, v7;
	v2 =	vld.idx.msk [tilespmem:v46+s16+$0x0], $0xffff;
	[tilespmem:s24+$0xFFFF9F80] =	vst v47  }
0x199: {  	[tilespmem:s31+$0xFFFFBF80] =	vst v51;
	v55 =	vor.u32 $0x100, v12;
	v13 =	vld.idx.msk [tilespmem:v48+s16+$0x0], $0xffff  }
0x19a: {  	v9 =	vld.idx.msk [tilespmem:v53+s16+$0x0], $0xffff;
	v56 =	vor.u32 $0x100, v10;
	[tilespmem:s8+$0xFFFFE000] =	vst v1  }
0x19b: {  	v24 =	vor.u32 $0x180, v15;
	v0 =	vld.idx.msk [tilespmem:v49+s16+$0x0], $0xffff;
	[tilespmem:s1+$0xFFFFBF80] =	vst v5  }
0x19c: {  	v58 =	vor.u32 $0x180, v8;
	v59 =	vld.idx.msk [tilespmem:v54+s16+$0x0], $0xffff;
	[tilespmem:s24+$0xFFFFC000] =	vst v50  }
0x19d: {  	v60 =	vor.u32 $0x180, v11;
	v4 =	vld.idx.msk [tilespmem:v52+s16+$0x0], $0xffff;
	[tilespmem:s8+$0xFFFFBF80] =	vst v2  }
0x19e: {  	v57 =	vor.u32 $0x180, v7;
	v1 =	vld.idx.msk [tilespmem:v55+s16+$0x0], $0xffff;
	[tilespmem:s24+$0xFFFFBF80] =	vst v13  }
0x19f: {  	v61 =	vor.u32 $0x180, v12;
	[tilespmem:s31+$0xFFFFDF80] =	vst v9;
	v6 =	vld.idx.msk [tilespmem:v56+s16+$0x0], $0xffff  }
0x1a0: {  	v32 =	vld.idx.msk [tilespmem:v24+s16+$0x0], $0xffff;
	v62 =	vor.u32 $0x180, v10;
	[tilespmem:s8+$0x0] =	vst v0  }
0x1a1: {  	v7 =	vld.idx.msk [tilespmem:v58+s16+$0x0], $0xffff;
	[tilespmem:s1+$0xFFFFDF80] =	vst v59  }
0x1a2: {  	v2 =	vld.idx.msk [tilespmem:v60+s16+$0x0], $0xffff;
	[tilespmem:s24+$0xFFFFE000] =	vst v4  }
0x1a3: {  	v5 =	vld.idx.msk [tilespmem:v57+s16+$0x0], $0xffff;
	[tilespmem:s8+$0xFFFFDF80] =	vst v1  }
0x1a4: {  	v0 =	vld.idx.msk [tilespmem:v61+s16+$0x0], $0xffff;
	[tilespmem:s24+$0xFFFFDF80] =	vst v6  }
0x1a5: {  	[tilespmem:s1+$0x0] =	vst v32;
	v63 =	vld.idx.msk [tilespmem:v62+s16+$0x0], $0xffff  }
0x1a6: {  	p1 =	sne.s32 s25, $0x1F;
	[tilespmem:s31+$0xFFFFFF80] =	vst v7  }
.Ltmp3:
0x1a7: {  	[tilespmem:s1+$0xFFFFFF80] =	vst v2;
	(pc) =	sbr.rel @p1 .LBB2_6-.Ltmp3, $4  }
0x1a8: {  	[tilespmem:s24+$0x0] =	vst v5  }
0x1a9: {  	s30 =	sshll.u32 s25, $0xD;
	[tilespmem:s8+$0xFFFFFF80] =	vst v0  }
0x1aa: {  	s0 =	sadd.s32 s30, s10;
	s31 =	simm.s32 $0x5400;
	[tilespmem:s24+$0xFFFFFF80] =	vst v63  }
0x1ab: {  	[hbm4b:s0+s3] =	stream.linear.scatter [tilespmem:s31], [sflag:$0x3], $0x8000, $0x38;
	[tilespmem:$0x15400] =	vst v63  }
.Ltmp4:
0x1ac: {  	(pc) =	sbr.rel .LBB2_7-.Ltmp4, $4  }
0x1ad: {  	_ = 	snop  }
0x1ae: {  	_ =	swait.ge [sflag:s20], $0x2200  }
0x1af: {  	[sflag:s20] =	ssyncset.done $0x0  }
0x1b0: {  	[sflag:s20] =	ssyncadd.s32 $0xFFFFDE00  }
.LBB2_6:
0x1b1: {  	s0 =	sadd.s32 s25, s12  }
0x1b2: {  	s0 =	smul.u32 $0x880, s0  }
0x1b3: {  	s1 =	rddreg [dreg:$0x0];
	s31 =	simm.s32 $0x200  }
.Ltmp5:
0x1b4: {  	s2 =	simm.s32 $0x400;
	s0 =	sadd.s32 s1, s0;
	(pc) =	sbr.rel @p0 .LBB2_8-.Ltmp5, $4  }
0x1b5: {  	[tilespmem:s16], [sflag:$0x1] =	stream.strided.gather [hbm4b:s0+s31], $0x2200, s2, s31, $0x38;
	[tilespmem:$0x15400] =	vst v63  }
0x1b6: {  	_ =	swait.ge [sflag:s20], $0x2200  }
0x1b7: {  	[sflag:s20] =	ssyncset.done $0x0  }
0x1b8: {  	[sflag:s20] =	ssyncadd.s32 $0xFFFFDE00  }
.LBB2_7:
0x1b9: {  	_ =	swait.ge [sflag:s21], $0x8000  }
0x1ba: {  	[sflag:s21] =	ssyncset.done $0x0  }
0x1bb: {  	[sflag:s21] =	ssyncadd.s32 $0xFFFF8000  }
.LBB2_8:
0x1bc: {  	s1 =	simm.s32 $0x20  }
0x1bd: {  	v0 =	vld [tilespmem:s1+$0x20];
	_ =	sdelay $0x4  }
0x1be: {  	v1 =	vshll.u32 v0, $0x2  }
0x1bf: {  	v0 =	vand.u32 $0x7F, v0;
	v1 =	vand.u32 $0xFFFFFE00, v1  }
0x1c0: {  	v0 =	vor.u32 v0, v1;
	_ =	sdelay $0x2  }
0x1c1: {  	v1 =	vld [tilespmem:s1+$0xFFFFFFE0];
	_ =	sdelay $0x1  }
0x1c2: {  	v2 =	vld.idx.msk [tilespmem:v0+s17+$0x0], $0xffff  }
0x1c3: {  	v3 =	vor.u32 $0x80, v0;
	_ =	sdelay $0x1  }
0x1c4: {  	v4 =	vshll.u32 v1, $0x2  }
0x1c5: {  	s28 =	simm.s32 $0x134B0;
	v1 =	vand.u32 $0x7F, v1;
	v4 =	vand.u32 $0xFFFFFE00, v4  }
0x1c6: {  	v1 =	vor.u32 v1, v4;
	[tilespmem:s28+$0xFFFF9FD0] =	vst v2  }
0x1c7: {  	v2 =	vld.idx.msk [tilespmem:v3+s17+$0x0], $0xffff  }
0x1c8: {  	v3 =	vor.u32 $0x100, v0;
	_ =	sdelay $0x2  }
0x1c9: {  	v4 =	vld.idx.msk [tilespmem:v1+s17+$0x0], $0xffff  }
0x1ca: {  	v5 =	vor.u32 $0x80, v1;
	[tilespmem:s28+$0xFFFFBFD0] =	vst v2  }
0x1cb: {  	v2 =	vld.idx.msk [tilespmem:v3+s17+$0x0], $0xffff  }
0x1cc: {  	v0 =	vor.u32 $0x180, v0;
	_ =	sdelay $0x1  }
0x1cd: {  	[tilespmem:s28+$0xFFFF9F50] =	vst v4  }
0x1ce: {  	v3 =	vld.idx.msk [tilespmem:v5+s17+$0x0], $0xffff  }
0x1cf: {  	v4 =	vor.u32 $0x100, v1;
	[tilespmem:s28+$0xFFFFDFD0] =	vst v2  }
0x1d0: {  	v0 =	vld.idx.msk [tilespmem:v0+s17+$0x0], $0xffff;
	_ =	sdelay $0x2  }
0x1d1: {  	[tilespmem:s28+$0xFFFFBF50] =	vst v3  }
0x1d2: {  	s2 =	simm.s32 $0x40;
	s8 =	simm.s32 $0xA0;
	v2 =	vld.idx.msk [tilespmem:v4+s17+$0x0], $0xffff  }
0x1d3: {  	s0 =	sor.u32 $0x50, s2;
	v1 =	vor.u32 $0x180, v1;
	v3 =	vld [tilespmem:s8+$0x20];
	[tilespmem:s28+$0xFFFFFFD0] =	vst v0  }
0x1d4: {  	v0 =	vld [tilespmem:s0+$0x0];
	_ =	sdelay $0x2  }
0x1d5: {  	[tilespmem:s28+$0xFFFFDF50] =	vst v2  }
0x1d6: {  	v2 =	vshll.u32 v3, $0x2;
	v1 =	vld.idx.msk [tilespmem:v1+s17+$0x0], $0xffff  }
0x1d7: {  	v3 =	vand.u32 $0x7F, v3;
	v2 =	vand.u32 $0xFFFFFE00, v2;
	v4 =	vshll.u32 v0, $0x2  }
0x1d8: {  	v2 =	vor.u32 v3, v2;
	v0 =	vand.u32 $0x7F, v0;
	v4 =	vand.u32 $0xFFFFFE00, v4  }
0x1d9: {  	v3 =	vld [tilespmem:s8+$0xFFFFFFE0];
	v0 =	vor.u32 v0, v4;
	_ =	sdelay $0x1  }
0x1da: {  	[tilespmem:s28+$0xFFFFFF50] =	vst v1  }
0x1db: {  	v1 =	vld [tilespmem:s1+$0xFFFFFFF0]  }
0x1dc: {  	v4 =	vld.idx.msk [tilespmem:v2+s17+$0x0], $0xffff  }
0x1dd: {  	v7 =	vor.u32 $0x80, v2;
	v5 =	vshll.u32 v3, $0x2;
	v6 =	vld.idx.msk [tilespmem:v0+s17+$0x0], $0xffff  }
0x1de: {  	v3 =	vand.u32 $0x7F, v3;
	v5 =	vand.u32 $0xFFFFFE00, v5;
	v8 =	vor.u32 $0x80, v0  }
0x1df: {  	v3 =	vor.u32 v3, v5  }
0x1e0: {  	s29 =	simm.s32 $0x135B0;
	v5 =	vshll.u32 v1, $0x2  }
0x1e1: {  	v1 =	vand.u32 $0x7F, v1;
	[tilespmem:s29+$0xFFFF9FD0] =	vst v4;
	v5 =	vand.u32 $0xFFFFFE00, v5  }
0x1e2: {  	v4 =	vld.idx.msk [tilespmem:v7+s17+$0x0], $0xffff;
	v1 =	vor.u32 v1, v5;
	[tilespmem:s28+$0xFFFF9FE0] =	vst v6  }
0x1e3: {  	v6 =	vor.u32 $0x100, v2;
	v5 =	vld.idx.msk [tilespmem:v8+s17+$0x0], $0xffff  }
0x1e4: {  	v7 =	vld.idx.msk [tilespmem:v3+s17+$0x0], $0xffff;
	v8 =	vor.u32 $0x100, v0  }
0x1e5: {  	v9 =	vor.u32 $0x80, v3;
	_ =	sdelay $0x1  }
0x1e6: {  	[tilespmem:s29+$0xFFFFBFD0] =	vst v4;
	v10 =	vld.idx.msk [tilespmem:v1+s17+$0x0], $0xffff  }
0x1e7: {  	v4 =	vor.u32 $0x80, v1;
	v6 =	vld.idx.msk [tilespmem:v6+s17+$0x0], $0xffff;
	[tilespmem:s28+$0xFFFFBFE0] =	vst v5  }
0x1e8: {  	v2 =	vor.u32 $0x180, v2;
	[tilespmem:s29+$0xFFFF9F50] =	vst v7;
	v5 =	vld.idx.msk [tilespmem:v8+s17+$0x0], $0xffff  }
0x1e9: {  	v0 =	vor.u32 $0x180, v0;
	v7 =	vld.idx.msk [tilespmem:v9+s17+$0x0], $0xffff  }
0x1ea: {  	v8 =	vor.u32 $0x100, v3  }
0x1eb: {  	[tilespmem:s28+$0xFFFF9F60] =	vst v10  }
0x1ec: {  	v4 =	vld.idx.msk [tilespmem:v4+s17+$0x0], $0xffff;
	[tilespmem:s29+$0xFFFFDFD0] =	vst v6  }
0x1ed: {  	v6 =	vor.u32 $0x100, v1;
	v2 =	vld.idx.msk [tilespmem:v2+s17+$0x0], $0xffff;
	[tilespmem:s28+$0xFFFFDFE0] =	vst v5  }
0x1ee: {  	[tilespmem:s29+$0xFFFFBF50] =	vst v7;
	v0 =	vld.idx.msk [tilespmem:v0+s17+$0x0], $0xffff  }
0x1ef: {  	v5 =	vld.idx.msk [tilespmem:v8+s17+$0x0], $0xffff  }
0x1f0: {  	s13 =	simm.s32 $0x120;
	v3 =	vor.u32 $0x180, v3  }
0x1f1: {  	s9 =	simm.s32 $0xC0;
	[tilespmem:s28+$0xFFFFBF60] =	vst v4;
	v4 =	vld [tilespmem:s13+$0x20]  }
0x1f2: {  	s15 =	sor.u32 $0x50, s9;
	v6 =	vld.idx.msk [tilespmem:v6+s17+$0x0], $0xffff;
	[tilespmem:s29+$0xFFFFFFD0] =	vst v2  }
0x1f3: {  	s19 =	sor.u32 $0x60, s2;
	v1 =	vor.u32 $0x180, v1;
	v2 =	vld [tilespmem:s15+$0x0];
	[tilespmem:s28+$0xFFFFFFE0] =	vst v0  }
0x1f4: {  	[tilespmem:s29+$0xFFFFDF50] =	vst v5;
	v0 =	vld [tilespmem:s19+$0x0]  }
0x1f5: {  	v3 =	vld.idx.msk [tilespmem:v3+s17+$0x0], $0xffff  }
0x1f6: {  	v5 =	vld [tilespmem:s13+$0xFFFFFFE0];
	v7 =	vshll.u32 v4, $0x2  }
0x1f7: {  	v4 =	vand.u32 $0x7F, v4;
	[tilespmem:s28+$0xFFFFDF60] =	vst v6;
	v6 =	vand.u32 $0xFFFFFE00, v7  }
0x1f8: {  	v1 =	vld.idx.msk [tilespmem:v1+s17+$0x0], $0xffff;
	v4 =	vor.u32 v4, v6;
	v7 =	vshll.u32 v2, $0x2  }
0x1f9: {  	v2 =	vand.u32 $0x7F, v2;
	v6 =	vand.u32 $0xFFFFFE00, v7;
	v7 =	vshll.u32 v0, $0x2  }
0x1fa: {  	[tilespmem:s29+$0xFFFFFF50] =	vst v3;
	v2 =	vor.u32 v2, v6;
	v0 =	vand.u32 $0x7F, v0;
	v3 =	vand.u32 $0xFFFFFE00, v7  }
0x1fb: {  	v6 =	vld [tilespmem:s8+$0xFFFFFFF0];
	v0 =	vor.u32 v0, v3;
	v3 =	vshll.u32 v5, $0x2  }
0x1fc: {  	v5 =	vand.u32 $0x7F, v5;
	v3 =	vand.u32 $0xFFFFFE00, v3  }
0x1fd: {  	[tilespmem:s28+$0xFFFFFF60] =	vst v1;
	v1 =	vor.u32 v5, v3;
	v3 =	vld.idx.msk [tilespmem:v4+s17+$0x0], $0xffff  }
0x1fe: {  	v7 =	vor.u32 $0x80, v4;
	v5 =	vld [tilespmem:s1+$0x0]  }
0x1ff: {  	v8 =	vld.idx.msk [tilespmem:v2+s17+$0x0], $0xffff  }
0x200: {  	v11 =	vor.u32 $0x80, v2;
	v9 =	vshll.u32 v6, $0x2;
	v10 =	vld.idx.msk [tilespmem:v0+s17+$0x0], $0xffff  }
0x201: {  	s30 =	simm.s32 $0x136B0;
	v12 =	vor.u32 $0x80, v0;
	v6 =	vand.u32 $0x7F, v6;
	v9 =	vand.u32 $0xFFFFFE00, v9  }
0x202: {  	v6 =	vor.u32 v6, v9;
	v9 =	vld.idx.msk [tilespmem:v1+s17+$0x0], $0xffff;
	[tilespmem:s30+$0xFFFF9FD0] =	vst v3  }
0x203: {  	v3 =	vor.u32 $0x80, v1;
	v13 =	vshll.u32 v5, $0x2;
	v7 =	vld.idx.msk [tilespmem:v7+s17+$0x0], $0xffff  }
0x204: {  	v5 =	vand.u32 $0x7F, v5;
	v13 =	vand.u32 $0xFFFFFE00, v13;
	[tilespmem:s29+$0xFFFF9FE0] =	vst v8;
	v8 =	vor.u32 $0x100, v4  }
0x205: {  	v5 =	vor.u32 v5, v13;
	v11 =	vld.idx.msk [tilespmem:v11+s17+$0x0], $0xffff;
	[tilespmem:s28+$0xFFFF9FF0] =	vst v10  }
0x206: {  	v10 =	vld.idx.msk [tilespmem:v12+s17+$0x0], $0xffff;
	v12 =	vor.u32 $0x100, v2  }
0x207: {  	v13 =	vor.u32 $0x100, v0;
	[tilespmem:s30+$0xFFFF9F50] =	vst v9;
	v9 =	vld.idx.msk [tilespmem:v6+s17+$0x0], $0xffff  }
0x208: {  	v14 =	vor.u32 $0x80, v6;
	v3 =	vld.idx.msk [tilespmem:v3+s17+$0x0], $0xffff;
	[tilespmem:s30+$0xFFFFBFD0] =	vst v7  }
0x209: {  	v7 =	vor.u32 $0x100, v1;
	v8 =	vld.idx.msk [tilespmem:v8+s17+$0x0], $0xffff  }
0x20a: {  	v4 =	vor.u32 $0x180, v4;
	v15 =	vld.idx.msk [tilespmem:v5+s17+$0x0], $0xffff;
	[tilespmem:s29+$0xFFFFBFE0] =	vst v11  }
0x20b: {  	v11 =	vor.u32 $0x80, v5;
	v12 =	vld.idx.msk [tilespmem:v12+s17+$0x0], $0xffff;
	[tilespmem:s28+$0xFFFFBFF0] =	vst v10  }
0x20c: {  	v2 =	vor.u32 $0x180, v2;
	v10 =	vld.idx.msk [tilespmem:v13+s17+$0x0], $0xffff;
	[tilespmem:s29+$0xFFFF9F60] =	vst v9  }
0x20d: {  	v0 =	vor.u32 $0x180, v0;
	[tilespmem:s30+$0xFFFFBF50] =	vst v3;
	v3 =	vld.idx.msk [tilespmem:v14+s17+$0x0], $0xffff  }
0x20e: {  	v9 =	vor.u32 $0x100, v6;
	v7 =	vld.idx.msk [tilespmem:v7+s17+$0x0], $0xffff;
	[tilespmem:s30+$0xFFFFDFD0] =	vst v8  }
0x20f: {  	[tilespmem:s28+$0xFFFF9F70] =	vst v15;
	v4 =	vld.idx.msk [tilespmem:v4+s17+$0x0], $0xffff  }
0x210: {  	v8 =	vld.idx.msk [tilespmem:v11+s17+$0x0], $0xffff;
	[tilespmem:s29+$0xFFFFDFE0] =	vst v12  }
0x211: {  	v1 =	vor.u32 $0x180, v1;
	v2 =	vld.idx.msk [tilespmem:v2+s17+$0x0], $0xffff;
	[tilespmem:s28+$0xFFFFDFF0] =	vst v10  }
0x212: {  	v0 =	vld.idx.msk [tilespmem:v0+s17+$0x0], $0xffff;
	[tilespmem:s29+$0xFFFFBF60] =	vst v3  }
0x213: {  	s0 =	simm.s32 $0x1A0;
	s19 =	simm.s32 $0x140;
	v3 =	vld.idx.msk [tilespmem:v9+s17+$0x0], $0xffff  }
0x214: {  	s5 =	sor.u32 $0x50, s19;
	v9 =	vld [tilespmem:s0+$0x20];
	[tilespmem:s30+$0xFFFFFFD0] =	vst v4  }
0x215: {  	[tilespmem:s30+$0xFFFFDF50] =	vst v7;
	v4 =	vor.u32 $0x180, v6;
	v6 =	vld [tilespmem:s5+$0x0]  }
0x216: {  	s22 =	sor.u32 $0x60, s9;
	v1 =	vld.idx.msk [tilespmem:v1+s17+$0x0], $0xffff;
	[tilespmem:s29+$0xFFFFFFE0] =	vst v2  }
0x217: {  	s2 =	sor.u32 $0x70, s2;
	[tilespmem:s28+$0xFFFFFFF0] =	vst v0;
	v0 =	vld [tilespmem:s22+$0x0]  }
0x218: {  	v2 =	vld [tilespmem:s2+$0x0]  }
0x219: {  	v10 =	vld [tilespmem:s0+$0xFFFFFFE0];
	v7 =	vor.u32 $0x100, v5;
	[tilespmem:s29+$0xFFFFDF60] =	vst v3  }
0x21a: {  	v3 =	vld.idx.msk [tilespmem:v4+s17+$0x0], $0xffff;
	v4 =	vand.u32 $0x7F, v9;
	v9 =	vshll.u32 v9, $0x2;
	v11 =	vshll.u32 v6, $0x2  }
0x21b: {  	v9 =	vand.u32 $0xFFFFFE00, v9;
	v6 =	vand.u32 $0x7F, v6;
	v11 =	vand.u32 $0xFFFFFE00, v11  }
0x21c: {  	v4 =	vor.u32 v4, v9;
	v6 =	vor.u32 v6, v11;
	v9 =	vshll.u32 v0, $0x2  }
0x21d: {  	[tilespmem:s30+$0xFFFFFF50] =	vst v1;
	v0 =	vand.u32 $0x7F, v0;
	v1 =	vand.u32 $0xFFFFFE00, v9;
	v9 =	vshll.u32 v2, $0x2  }
0x21e: {  	[tilespmem:s28+$0xFFFFBF70] =	vst v8;
	v8 =	vld [tilespmem:s13+$0xFFFFFFF0];
	v0 =	vor.u32 v0, v1;
	v1 =	vand.u32 $0x7F, v2;
	v2 =	vand.u32 $0xFFFFFE00, v9  }
0x21f: {  	v7 =	vld.idx.msk [tilespmem:v7+s17+$0x0], $0xffff;
	v9 =	vshll.u32 v10, $0x2;
	[tilespmem:s29+$0xFFFFFF60] =	vst v3;
	v1 =	vor.u32 v1, v2  }
0x220: {  	v3 =	vand.u32 $0x7F, v10;
	v2 =	vor.u32 $0x180, v5;
	v5 =	vand.u32 $0xFFFFFE00, v9;
	v9 =	vld [tilespmem:s8+$0x0]  }
0x221: {  	v3 =	vor.u32 v3, v5;
	v5 =	vld.idx.msk [tilespmem:v4+s17+$0x0], $0xffff  }
0x222: {  	v11 =	vor.u32 $0x80, v4;
	v10 =	vld.idx.msk [tilespmem:v6+s17+$0x0], $0xffff  }
0x223: {  	v13 =	vor.u32 $0x80, v6;
	v14 =	vshll.u32 v8, $0x2;
	v12 =	vld.idx.msk [tilespmem:v0+s17+$0x0], $0xffff  }
0x224: {  	[tilespmem:s28+$0xFFFFDF70] =	vst v7;
	v15 =	vor.u32 $0x80, v0;
	v8 =	vand.u32 $0x7F, v8;
	v14 =	vand.u32 $0xFFFFFE00, v14;
	v7 =	vld.idx.msk [tilespmem:v1+s17+$0x0], $0xffff  }
0x225: {  	s31 =	simm.s32 $0x137B0;
	v8 =	vor.u32 v8, v14;
	v2 =	vld.idx.msk [tilespmem:v2+s17+$0x0], $0xffff  }
0x226: {  	v16 =	vor.u32 $0x80, v1;
	v14 =	vshll.u32 v9, $0x2;
	v17 =	vld.idx.msk [tilespmem:v3+s17+$0x0], $0xffff;
	[tilespmem:s31+$0xFFFF9FD0] =	vst v5  }
0x227: {  	v9 =	vand.u32 $0x7F, v9;
	v5 =	vor.u32 $0x80, v3;
	v14 =	vand.u32 $0xFFFFFE00, v14;
	v11 =	vld.idx.msk [tilespmem:v11+s17+$0x0], $0xffff;
	[tilespmem:s30+$0xFFFF9FE0] =	vst v10  }
0x228: {  	v9 =	vor.u32 v9, v14;
	v10 =	vld.idx.msk [tilespmem:v13+s17+$0x0], $0xffff;
	[tilespmem:s29+$0xFFFF9FF0] =	vst v12  }
0x229: {  	v12 =	vor.u32 $0x100, v4;
	v13 =	vld.idx.msk [tilespmem:v15+s17+$0x0], $0xffff  }
0x22a: {  	[tilespmem:s28+$0xFFFFA000] =	vst v7;
	v7 =	vor.u32 $0x100, v6;
	v15 =	vld.idx.msk [tilespmem:v8+s17+$0x0], $0xffff  }
0x22b: {  	v14 =	vld.idx.msk [tilespmem:v16+s17+$0x0], $0xffff;
	[tilespmem:s31+$0xFFFF9F50] =	vst v17;
	v16 =	vor.u32 $0x100, v0  }
0x22c: {  	v17 =	vor.u32 $0x100, v1;
	v5 =	vld.idx.msk [tilespmem:v5+s17+$0x0], $0xffff  }
0x22d: {  	v18 =	vor.u32 $0x80, v8;
	[tilespmem:s31+$0xFFFFBFD0] =	vst v11;
	v11 =	vld.idx.msk [tilespmem:v9+s17+$0x0], $0xffff  }
0x22e: {  	v19 =	vor.u32 $0x100, v3;
	[tilespmem:s30+$0xFFFFBFE0] =	vst v10;
	v12 =	vld.idx.msk [tilespmem:v12+s17+$0x0], $0xffff  }
0x22f: {  	v10 =	vor.u32 $0x80, v9;
	v7 =	vld.idx.msk [tilespmem:v7+s17+$0x0], $0xffff;
	[tilespmem:s29+$0xFFFFBFF0] =	vst v13  }
0x230: {  	v4 =	vor.u32 $0x180, v4;
	v13 =	vld.idx.msk [tilespmem:v16+s17+$0x0], $0xffff;
	[tilespmem:s28+$0xFFFFC000] =	vst v14  }
0x231: {  	v6 =	vor.u32 $0x180, v6;
	[tilespmem:s30+$0xFFFF9F60] =	vst v15;
	v14 =	vld.idx.msk [tilespmem:v17+s17+$0x0], $0xffff  }
0x232: {  	v0 =	vor.u32 $0x180, v0;
	[tilespmem:s31+$0xFFFFBF50] =	vst v5;
	v5 =	vld.idx.msk [tilespmem:v18+s17+$0x0], $0xffff  }
0x233: {  	[tilespmem:s29+$0xFFFF9F70] =	vst v11;
	v16 =	vld.idx.msk [tilespmem:v19+s17+$0x0], $0xffff  }
0x234: {  	v15 =	vor.u32 $0x100, v8;
	v10 =	vld.idx.msk [tilespmem:v10+s17+$0x0], $0xffff;
	[tilespmem:s31+$0xFFFFDFD0] =	vst v12  }
0x235: {  	v3 =	vor.u32 $0x180, v3;
	v4 =	vld.idx.msk [tilespmem:v4+s17+$0x0], $0xffff;
	[tilespmem:s30+$0xFFFFDFE0] =	vst v7  }
0x236: {  	v6 =	vld.idx.msk [tilespmem:v6+s17+$0x0], $0xffff;
	[tilespmem:s29+$0xFFFFDFF0] =	vst v13  }
0x237: {  	s5 =	simm.s32 $0x220;
	v0 =	vld.idx.msk [tilespmem:v0+s17+$0x0], $0xffff  }
0x238: {  	v7 =	vld [tilespmem:s5+$0x20];
	[tilespmem:s30+$0xFFFFBF60] =	vst v5  }
0x239: {  	s2 =	simm.s32 $0x1C0;
	v5 =	vld.idx.msk [tilespmem:v15+s17+$0x0], $0xffff;
	[tilespmem:s31+$0xFFFFDF50] =	vst v16  }
0x23a: {  	s11 =	sor.u32 $0x50, s2;
	v3 =	vld.idx.msk [tilespmem:v3+s17+$0x0], $0xffff;
	[tilespmem:s31+$0xFFFFFFD0] =	vst v4;
	v4 =	vor.u32 $0x180, v8  }
0x23b: {  	s23 =	sor.u32 $0x60, s19;
	v1 =	vor.u32 $0x180, v1;
	v8 =	vld [tilespmem:s11+$0x0];
	[tilespmem:s30+$0xFFFFFFE0] =	vst v6  }
0x23c: {  	s9 =	sor.u32 $0x70, s9;
	[tilespmem:s29+$0xFFFFFFF0] =	vst v0;
	v6 =	vld [tilespmem:s23+$0x0]  }
0x23d: {  	v11 =	vld [tilespmem:s9+$0x0]  }
0x23e: {  	v13 =	vld [tilespmem:s5+$0xFFFFFFE0];
	v0 =	vshll.u32 v7, $0x2;
	[tilespmem:s30+$0xFFFFDF60] =	vst v5  }
0x23f: {  	v12 =	vor.u32 $0x100, v9;
	[tilespmem:s28+$0xFFFFE000] =	vst v14;
	v5 =	vand.u32 $0x7F, v7;
	v14 =	vand.u32 $0xFFFFFE00, v0;
	v4 =	vld.idx.msk [tilespmem:v4+s17+$0x0], $0xffff  }
0x240: {  	[tilespmem:s28+$0xFFFFFF70] =	vst v2;
	v0 =	vld.idx.msk [tilespmem:v1+s17+$0x0], $0xffff;
	v1 =	vor.u32 v5, v14;
	v7 =	vshll.u32 v8, $0x2;
	v8 =	vand.u32 $0x7F, v8  }
0x241: {  	[tilespmem:s29+$0xFFFFBF70] =	vst v10;
	v7 =	vand.u32 $0xFFFFFE00, v7;
	v5 =	vshll.u32 v6, $0x2;
	v6 =	vand.u32 $0x7F, v6  }
0x242: {  	v10 =	vld [tilespmem:s1+$0x10];
	[tilespmem:s31+$0xFFFFFF50] =	vst v3;
	v3 =	vor.u32 v8, v7;
	v5 =	vand.u32 $0xFFFFFE00, v5;
	v8 =	vshll.u32 v11, $0x2  }
0x243: {  	v7 =	vld [tilespmem:s0+$0xFFFFFFF0];
	v5 =	vor.u32 v6, v5;
	v6 =	vand.u32 $0x7F, v11;
	v8 =	vand.u32 $0xFFFFFE00, v8  }
0x244: {  	v2 =	vld.idx.msk [tilespmem:v12+s17+$0x0], $0xffff;
	v11 =	vshll.u32 v13, $0x2;
	[tilespmem:s30+$0xFFFFFF60] =	vst v4;
	v4 =	vor.u32 v6, v8  }
0x245: {  	v6 =	vor.u32 $0x180, v9;
	v8 =	vand.u32 $0x7F, v13;
	v9 =	vand.u32 $0xFFFFFE00, v11;
	v11 =	vld [tilespmem:s13+$0x0]  }
0x246: {  	v8 =	vor.u32 v8, v9;
	v9 =	vld.idx.msk [tilespmem:v1+s17+$0x0], $0xffff  }
0x247: {  	v13 =	vor.u32 $0x80, v1;
	v12 =	vld.idx.msk [tilespmem:v3+s17+$0x0], $0xffff  }
0x248: {  	v15 =	vor.u32 $0x80, v3;
	v16 =	vshll.u32 v7, $0x2;
	v14 =	vld.idx.msk [tilespmem:v5+s17+$0x0], $0xffff  }
0x249: {  	[tilespmem:s29+$0xFFFFDF70] =	vst v2;
	v17 =	vor.u32 $0x80, v5;
	v7 =	vand.u32 $0x7F, v7;
	v16 =	vand.u32 $0xFFFFFE00, v16;
	v2 =	vld.idx.msk [tilespmem:v4+s17+$0x0], $0xffff  }
0x24a: {  	s1 =	simm.s32 $0x138B0;
	v6 =	vld.idx.msk [tilespmem:v6+s17+$0x0], $0xffff;
	v7 =	vor.u32 v7, v16  }
0x24b: {  	v35 =	vor.u32 $0x80, v4;
	v16 =	vshll.u32 v11, $0x2;
	v36 =	vld.idx.msk [tilespmem:v8+s17+$0x0], $0xffff;
	[tilespmem:s1+$0xFFFF9FD0] =	vst v9  }
0x24c: {  	v9 =	vor.u32 $0x80, v8;
	v11 =	vand.u32 $0x7F, v11;
	v16 =	vand.u32 $0xFFFFFE00, v16;
	v13 =	vld.idx.msk [tilespmem:v13+s17+$0x0], $0xffff;
	[tilespmem:s31+$0xFFFF9FE0] =	vst v12  }
0x24d: {  	v11 =	vor.u32 v11, v16;
	v12 =	vld.idx.msk [tilespmem:v15+s17+$0x0], $0xffff;
	[tilespmem:s30+$0xFFFF9FF0] =	vst v14  }
0x24e: {  	v14 =	vor.u32 $0x100, v1;
	v15 =	vld.idx.msk [tilespmem:v17+s17+$0x0], $0xffff  }
0x24f: {  	[tilespmem:s29+$0xFFFFA000] =	vst v2;
	v2 =	vor.u32 $0x100, v3;
	v17 =	vld.idx.msk [tilespmem:v7+s17+$0x0], $0xffff  }
0x250: {  	v37 =	vor.u32 $0x100, v5;
	v16 =	vld.idx.msk [tilespmem:v35+s17+$0x0], $0xffff;
	[tilespmem:s1+$0xFFFF9F50] =	vst v36  }
0x251: {  	v38 =	vor.u32 $0x100, v4;
	v9 =	vld.idx.msk [tilespmem:v9+s17+$0x0], $0xffff  }
0x252: {  	v20 =	vor.u32 $0x80, v7;
	[tilespmem:s1+$0xFFFFBFD0] =	vst v13;
	v13 =	vld.idx.msk [tilespmem:v11+s17+$0x0], $0xffff  }
0x253: {  	v21 =	vor.u32 $0x100, v8;
	v14 =	vld.idx.msk [tilespmem:v14+s17+$0x0], $0xffff;
	[tilespmem:s31+$0xFFFFBFE0] =	vst v12  }
0x254: {  	v12 =	vor.u32 $0x80, v11;
	v2 =	vld.idx.msk [tilespmem:v2+s17+$0x0], $0xffff;
	[tilespmem:s30+$0xFFFFBFF0] =	vst v15  }
0x255: {  	v1 =	vor.u32 $0x180, v1;
	v15 =	vld.idx.msk [tilespmem:v37+s17+$0x0], $0xffff;
	[tilespmem:s29+$0xFFFFC000] =	vst v16  }
0x256: {  	v3 =	vor.u32 $0x180, v3;
	[tilespmem:s31+$0xFFFF9F60] =	vst v17;
	v16 =	vld.idx.msk [tilespmem:v38+s17+$0x0], $0xffff  }
0x257: {  	[tilespmem:s1+$0xFFFFBF50] =	vst v9;
	v9 =	vld.idx.msk [tilespmem:v20+s17+$0x0], $0xffff  }
0x258: {  	v5 =	vor.u32 $0x180, v5;
	v39 =	vld.idx.msk [tilespmem:v21+s17+$0x0], $0xffff;
	[tilespmem:s30+$0xFFFF9F70] =	vst v13  }
0x259: {  	v17 =	vor.u32 $0x100, v7;
	[tilespmem:s1+$0xFFFFDFD0] =	vst v14;
	v12 =	vld.idx.msk [tilespmem:v12+s17+$0x0], $0xffff  }
0x25a: {  	v1 =	vld.idx.msk [tilespmem:v1+s17+$0x0], $0xffff;
	[tilespmem:s31+$0xFFFFDFE0] =	vst v2  }
0x25b: {  	s9 =	simm.s32 $0x2A0;
	v2 =	vor.u32 $0x180, v8;
	v3 =	vld.idx.msk [tilespmem:v3+s17+$0x0], $0xffff  }
0x25c: {  	[tilespmem:s30+$0xFFFFDFF0] =	vst v15;
	v15 =	vld [tilespmem:s9+$0xFFFFFFE0]  }
0x25d: {  	v5 =	vld.idx.msk [tilespmem:v5+s17+$0x0], $0xffff;
	[tilespmem:s31+$0xFFFFBF60] =	vst v9  }
0x25e: {  	v8 =	vld.idx.msk [tilespmem:v17+s17+$0x0], $0xffff  }
0x25f: {  	s11 =	simm.s32 $0x240;
	v7 =	vor.u32 $0x180, v7;
	v9 =	vld [tilespmem:s9+$0x20];
	[tilespmem:s1+$0xFFFFDF50] =	vst v39  }
0x260: {  	s14 =	sor.u32 $0x50, s11;
	v4 =	vor.u32 $0x180, v4;
	[tilespmem:s1+$0xFFFFFFD0] =	vst v1;
	v14 =	vld.idx.msk [tilespmem:v2+s17+$0x0], $0xffff  }
0x261: {  	s24 =	sor.u32 $0x60, s2;
	v13 =	vld [tilespmem:s14+$0x0];
	[tilespmem:s31+$0xFFFFFFE0] =	vst v3  }
0x262: {  	s15 =	sor.u32 $0x70, s19;
	[tilespmem:s30+$0xFFFFFFF0] =	vst v5;
	v3 =	vld [tilespmem:s24+$0x0]  }
0x263: {  	v1 =	vshll.u32 v10, $0x2;
	v2 =	vand.u32 $0x7F, v10;
	v5 =	vor.u32 $0x100, v11;
	v10 =	vld [tilespmem:s15+$0x0];
	[tilespmem:s31+$0xFFFFDF60] =	vst v8  }
0x264: {  	[tilespmem:s29+$0xFFFFE000] =	vst v16;
	v1 =	vand.u32 $0xFFFFFE00, v1;
	v8 =	vand.u32 $0x7F, v9;
	v9 =	vshll.u32 v9, $0x2;
	v7 =	vld.idx.msk [tilespmem:v7+s17+$0x0], $0xffff  }
0x265: {  	v1 =	vor.u32 v2, v1;
	v2 =	vld.idx.msk [tilespmem:v4+s17+$0x0], $0xffff;
	v4 =	vand.u32 $0xFFFFFE00, v9  }
0x266: {  	[tilespmem:s1+$0xFFFFFF50] =	vst v14;
	v4 =	vor.u32 v8, v4;
	v16 =	vshll.u32 v13, $0x2  }
0x267: {  	[tilespmem:s30+$0xFFFFBF70] =	vst v12;
	v14 =	vshll.u32 v15, $0x2;
	v9 =	vand.u32 $0x7F, v13;
	v12 =	vld [tilespmem:s5+$0xFFFFFFF0];
	v13 =	vand.u32 $0xFFFFFE00, v16  }
0x268: {  	[tilespmem:s29+$0xFFFFFF70] =	vst v6;
	v5 =	vld.idx.msk [tilespmem:v5+s17+$0x0], $0xffff;
	v8 =	vor.u32 v9, v13;
	v9 =	vshll.u32 v3, $0x2;
	v3 =	vand.u32 $0x7F, v3  }
0x269: {  	v13 =	vld [tilespmem:s8+$0x10];
	v6 =	vand.u32 $0xFFFFFE00, v9;
	v9 =	vshll.u32 v10, $0x2;
	[tilespmem:s31+$0xFFFFFF60] =	vst v7;
	v7 =	vor.u32 $0x180, v11  }
0x26a: {  	v3 =	vor.u32 v3, v6;
	v6 =	vand.u32 $0x7F, v10;
	v9 =	vand.u32 $0xFFFFFE00, v9;
	v10 =	vld.idx.msk [tilespmem:v1+s17+$0x0], $0xffff  }
0x26b: {  	v11 =	vand.u32 $0xFFFFFE00, v14;
	v14 =	vld [tilespmem:s0+$0x0];
	v6 =	vor.u32 v6, v9;
	v9 =	vand.u32 $0x7F, v15  }
0x26c: {  	v9 =	vor.u32 v9, v11;
	v11 =	vld.idx.msk [tilespmem:v4+s17+$0x0], $0xffff  }
0x26d: {  	v15 =	vor.u32 $0x80, v1;
	[tilespmem:s30+$0xFFFFDF70] =	vst v5;
	v16 =	vld.idx.msk [tilespmem:v8+s17+$0x0], $0xffff  }
0x26e: {  	v17 =	vor.u32 $0x80, v4;
	v7 =	vld.idx.msk [tilespmem:v7+s17+$0x0], $0xffff  }
0x26f: {  	v5 =	vor.u32 $0x80, v8;
	v40 =	vld.idx.msk [tilespmem:v3+s17+$0x0], $0xffff  }
0x270: {  	v42 =	vshll.u32 v12, $0x2;
	v43 =	vor.u32 $0x80, v3;
	v41 =	vld.idx.msk [tilespmem:v6+s17+$0x0], $0xffff  }
0x271: {  	s8 =	simm.s32 $0x139B0;
	v12 =	vand.u32 $0x7F, v12;
	v20 =	vand.u32 $0xFFFFFE00, v42;
	v22 =	vor.u32 $0x80, v6;
	[tilespmem:s28+$0xFFFF9F80] =	vst v10;
	v10 =	vld.idx.msk [tilespmem:v9+s17+$0x0], $0xffff  }
0x272: {  	v12 =	vor.u32 v12, v20;
	v44 =	vshll.u32 v14, $0x2;
	[tilespmem:s8+$0xFFFF9FD0] =	vst v11;
	v11 =	vld.idx.msk [tilespmem:v15+s17+$0x0], $0xffff  }
0x273: {  	v14 =	vand.u32 $0x7F, v14;
	v20 =	vand.u32 $0xFFFFFE00, v44;
	v15 =	vor.u32 $0x80, v9;
	v17 =	vld.idx.msk [tilespmem:v17+s17+$0x0], $0xffff;
	[tilespmem:s1+$0xFFFF9FE0] =	vst v16  }
0x274: {  	v14 =	vor.u32 v14, v20;
	v5 =	vld.idx.msk [tilespmem:v5+s17+$0x0], $0xffff;
	[tilespmem:s31+$0xFFFF9FF0] =	vst v40  }
0x275: {  	v16 =	vor.u32 $0x100, v4;
	v18 =	vld.idx.msk [tilespmem:v43+s17+$0x0], $0xffff;
	[tilespmem:s30+$0xFFFFA000] =	vst v41  }
0x276: {  	v45 =	vor.u32 $0x100, v8;
	v46 =	vld.idx.msk [tilespmem:v22+s17+$0x0], $0xffff  }
0x277: {  	v47 =	vor.u32 $0x100, v3;
	[tilespmem:s8+$0xFFFF9F50] =	vst v10;
	v10 =	vld.idx.msk [tilespmem:v12+s17+$0x0], $0xffff  }
0x278: {  	v48 =	vor.u32 $0x100, v6;
	v15 =	vld.idx.msk [tilespmem:v15+s17+$0x0], $0xffff  }
0x279: {  	v23 =	vor.u32 $0x80, v12;
	[tilespmem:s8+$0xFFFFBFD0] =	vst v17;
	v17 =	vld.idx.msk [tilespmem:v14+s17+$0x0], $0xffff  }
0x27a: {  	v24 =	vor.u32 $0x100, v9;
	v16 =	vld.idx.msk [tilespmem:v16+s17+$0x0], $0xffff;
	[tilespmem:s1+$0xFFFFBFE0] =	vst v5  }
0x27b: {  	v5 =	vor.u32 $0x80, v14;
	v19 =	vld.idx.msk [tilespmem:v45+s17+$0x0], $0xffff;
	[tilespmem:s31+$0xFFFFBFF0] =	vst v18  }
0x27c: {  	v4 =	vor.u32 $0x180, v4;
	v18 =	vld.idx.msk [tilespmem:v47+s17+$0x0], $0xffff;
	[tilespmem:s30+$0xFFFFC000] =	vst v46  }
0x27d: {  	[tilespmem:s1+$0xFFFF9F60] =	vst v10;
	v10 =	vld.idx.msk [tilespmem:v48+s17+$0x0], $0xffff  }
0x27e: {  	v8 =	vor.u32 $0x180, v8;
	[tilespmem:s8+$0xFFFFBF50] =	vst v15;
	v15 =	vld.idx.msk [tilespmem:v23+s17+$0x0], $0xffff  }
0x27f: {  	v3 =	vor.u32 $0x180, v3;
	[tilespmem:s31+$0xFFFF9F70] =	vst v17;
	v50 =	vld.idx.msk [tilespmem:v24+s17+$0x0], $0xffff  }
0x280: {  	v49 =	vor.u32 $0x100, v12;
	[tilespmem:s8+$0xFFFFDFD0] =	vst v16;
	v5 =	vld.idx.msk [tilespmem:v5+s17+$0x0], $0xffff  }
0x281: {  	s23 =	simm.s32 $0x320;
	v9 =	vor.u32 $0x180, v9;
	v4 =	vld.idx.msk [tilespmem:v4+s17+$0x0], $0xffff  }
0x282: {  	v16 =	vld [tilespmem:s23+$0x20];
	[tilespmem:s1+$0xFFFFDFE0] =	vst v19  }
0x283: {  	v6 =	vor.u32 $0x180, v6;
	v8 =	vld.idx.msk [tilespmem:v8+s17+$0x0], $0xffff;
	[tilespmem:s31+$0xFFFFDFF0] =	vst v18  }
0x284: {  	v3 =	vld.idx.msk [tilespmem:v3+s17+$0x0], $0xffff;
	[tilespmem:s1+$0xFFFFBF60] =	vst v15  }
0x285: {  	s24 =	simm.s32 $0x2C0;
	[tilespmem:s8+$0xFFFFDF50] =	vst v50;
	v15 =	vld.idx.msk [tilespmem:v49+s17+$0x0], $0xffff  }
0x286: {  	s19 =	sor.u32 $0x50, s24;
	v9 =	vld.idx.msk [tilespmem:v9+s17+$0x0], $0xffff;
	[tilespmem:s8+$0xFFFFFFD0] =	vst v4  }
0x287: {  	[tilespmem:s30+$0xFFFFE000] =	vst v10;
	v4 =	vor.u32 $0x180, v12;
	v10 =	vld [tilespmem:s19+$0x0]  }
0x288: {  	s22 =	sor.u32 $0x60, s11;
	v6 =	vld.idx.msk [tilespmem:v6+s17+$0x0], $0xffff;
	v12 =	vor.u32 $0x100, v14;
	[tilespmem:s1+$0xFFFFFFE0] =	vst v8;
	v8 =	vshll.u32 v13, $0x2  }
0x289: {  	v13 =	vand.u32 $0x7F, v13;
	v8 =	vand.u32 $0xFFFFFE00, v8;
	[tilespmem:s31+$0xFFFFFFF0] =	vst v3;
	v3 =	vld [tilespmem:s22+$0x0]  }
0x28a: {  	s2 =	sor.u32 $0x70, s2;
	[tilespmem:s31+$0xFFFFBF70] =	vst v5;
	v8 =	vor.u32 v13, v8;
	v13 =	vld [tilespmem:s23+$0xFFFFFFE0]  }
0x28b: {  	v51 =	vor.u32 $0x100, v1;
	v17 =	vld [tilespmem:s2+$0x0];
	[tilespmem:s1+$0xFFFFDF60] =	vst v15  }
0x28c: {  	v15 =	vshll.u32 v16, $0x2;
	[tilespmem:s8+$0xFFFFFF50] =	vst v9;
	v4 =	vld.idx.msk [tilespmem:v4+s17+$0x0], $0xffff;
	v9 =	vand.u32 $0x7F, v16;
	v16 =	vshll.u32 v10, $0x2  }
0x28d: {  	[tilespmem:s30+$0xFFFFFF70] =	vst v7;
	v15 =	vand.u32 $0xFFFFFE00, v15;
	v7 =	vld.idx.msk [tilespmem:v12+s17+$0x0], $0xffff;
	v10 =	vand.u32 $0x7F, v10;
	v16 =	vand.u32 $0xFFFFFE00, v16  }
0x28e: {  	[tilespmem:s29+$0x0] =	vst v2;
	v2 =	vor.u32 $0x80, v8;
	v5 =	vld [tilespmem:s9+$0xFFFFFFF0];
	v9 =	vor.u32 v9, v15;
	v10 =	vor.u32 v10, v16  }
0x28f: {  	[tilespmem:s28+$0xFFFFBF80] =	vst v11;
	v12 =	vshll.u32 v3, $0x2;
	v3 =	vand.u32 $0x7F, v3;
	v11 =	vld.idx.msk [tilespmem:v8+s17+$0x0], $0xffff;
	v52 =	vshll.u32 v13, $0x2  }
0x290: {  	v15 =	vld [tilespmem:s13+$0x10];
	v13 =	vand.u32 $0x7F, v13;
	v12 =	vand.u32 $0xFFFFFE00, v12;
	v16 =	vshll.u32 v17, $0x2  }
0x291: {  	v3 =	vor.u32 v3, v12;
	v12 =	vand.u32 $0x7F, v17;
	v16 =	vand.u32 $0xFFFFFE00, v16;
	v17 =	vld.idx.msk [tilespmem:v51+s17+$0x0], $0xffff;
	[tilespmem:s1+$0xFFFFFF60] =	vst v4  }
0x292: {  	v4 =	vor.u32 v12, v16;
	v12 =	vor.u32 $0x180, v14;
	v14 =	vand.u32 $0xFFFFFE00, v52;
	v16 =	vld [tilespmem:s5+$0x0]  }
0x293: {  	[tilespmem:s28+$0x0] =	vst v0;
	v0 =	vor.u32 v13, v14;
	v13 =	vld.idx.msk [tilespmem:v9+s17+$0x0], $0xffff  }
0x294: {  	v14 =	vld.idx.msk [tilespmem:v10+s17+$0x0], $0xffff;
	[tilespmem:s29+$0xFFFF9F80] =	vst v11  }
0x295: {  	[tilespmem:s30+$0x0] =	vst v6;
	v6 =	vor.u32 $0x80, v9;
	v2 =	vld.idx.msk [tilespmem:v2+s17+$0x0], $0xffff  }
0x296: {  	[tilespmem:s31+$0xFFFFDF70] =	vst v7;
	v7 =	vor.u32 $0x80, v10;
	v53 =	vld.idx.msk [tilespmem:v3+s17+$0x0], $0xffff  }
0x297: {  	v55 =	vshll.u32 v5, $0x2;
	v11 =	vor.u32 $0x80, v3;
	v54 =	vld.idx.msk [tilespmem:v4+s17+$0x0], $0xffff  }
0x298: {  	s19 =	simm.s32 $0x13AB0;
	v5 =	vand.u32 $0x7F, v5;
	v20 =	vand.u32 $0xFFFFFE00, v55;
	v56 =	vor.u32 $0x80, v4;
	[tilespmem:s28+$0xFFFFDF80] =	vst v17;
	v12 =	vld.idx.msk [tilespmem:v12+s17+$0x0], $0xffff  }
0x299: {  	v5 =	vor.u32 v5, v20;
	v57 =	vshll.u32 v16, $0x2;
	v17 =	vld.idx.msk [tilespmem:v0+s17+$0x0], $0xffff;
	[tilespmem:s19+$0xFFFF9FD0] =	vst v13  }
0x29a: {  	v16 =	vand.u32 $0x7F, v16;
	v13 =	vor.u32 $0x80, v0;
	v20 =	vand.u32 $0xFFFFFE00, v57;
	v6 =	vld.idx.msk [tilespmem:v6+s17+$0x0], $0xffff;
	[tilespmem:s8+$0xFFFF9FE0] =	vst v14  }
0x29b: {  	v16 =	vor.u32 v16, v20;
	v7 =	vld.idx.msk [tilespmem:v7+s17+$0x0], $0xffff;
	[tilespmem:s1+$0xFFFF9FF0] =	vst v53  }
0x29c: {  	v14 =	vor.u32 $0x100, v9;
	v11 =	vld.idx.msk [tilespmem:v11+s17+$0x0], $0xffff;
	[tilespmem:s31+$0xFFFFA000] =	vst v54  }
0x29d: {  	v58 =	vor.u32 $0x100, v10;
	[tilespmem:s31+$0xFFFFFF70] =	vst v12;
	v12 =	vld.idx.msk [tilespmem:v56+s17+$0x0], $0xffff  }
0x29e: {  	v59 =	vor.u32 $0x100, v3;
	[tilespmem:s19+$0xFFFF9F50] =	vst v17;
	v17 =	vld.idx.msk [tilespmem:v5+s17+$0x0], $0xffff  }
0x29f: {  	v60 =	vor.u32 $0x100, v4;
	[tilespmem:s29+$0xFFFFBF80] =	vst v2;
	v13 =	vld.idx.msk [tilespmem:v13+s17+$0x0], $0xffff  }
0x2a0: {  	v2 =	vor.u32 $0x80, v5;
	[tilespmem:s19+$0xFFFFBFD0] =	vst v6;
	v6 =	vld.idx.msk [tilespmem:v16+s17+$0x0], $0xffff  }
0x2a1: {  	v61 =	vor.u32 $0x100, v0;
	v14 =	vld.idx.msk [tilespmem:v14+s17+$0x0], $0xffff;
	[tilespmem:s8+$0xFFFFBFE0] =	vst v7  }
0x2a2: {  	v7 =	vor.u32 $0x80, v16;
	v18 =	vld.idx.msk [tilespmem:v58+s17+$0x0], $0xffff;
	[tilespmem:s1+$0xFFFFBFF0] =	vst v11  }
0x2a3: {  	v9 =	vor.u32 $0x180, v9;
	v11 =	vld.idx.msk [tilespmem:v59+s17+$0x0], $0xffff;
	[tilespmem:s31+$0xFFFFC000] =	vst v12  }
0x2a4: {  	v10 =	vor.u32 $0x180, v10;
	[tilespmem:s8+$0xFFFF9F60] =	vst v17;
	v17 =	vld.idx.msk [tilespmem:v60+s17+$0x0], $0xffff  }
0x2a5: {  	[tilespmem:s19+$0xFFFFBF50] =	vst v13;
	v13 =	vld.idx.msk [tilespmem:v2+s17+$0x0], $0xffff;
	v2 =	vor.u32 $0x180, v3  }
0x2a6: {  	v4 =	vor.u32 $0x180, v4;
	[tilespmem:s1+$0xFFFF9F70] =	vst v6;
	v3 =	vld.idx.msk [tilespmem:v61+s17+$0x0], $0xffff  }
0x2a7: {  	v6 =	vor.u32 $0x100, v5;
	[tilespmem:s19+$0xFFFFDFD0] =	vst v14;
	v62 =	vld.idx.msk [tilespmem:v7+s17+$0x0], $0xffff  }
0x2a8: {  	v63 =	vor.u32 $0x180, v0;
	v14 =	vld.idx.msk [tilespmem:v9+s17+$0x0], $0xffff;
	[tilespmem:s8+$0xFFFFDFE0] =	vst v18  }
0x2a9: {  	v0 =	vshll.u32 v15, $0x2;
	v12 =	vld.idx.msk [tilespmem:v10+s17+$0x0], $0xffff;
	[tilespmem:s1+$0xFFFFDFF0] =	vst v11  }
0x2aa: {  	v1 =	vor.u32 $0x180, v1;
	v7 =	vand.u32 $0xFFFFFE00, v0;
	v9 =	vand.u32 $0x7F, v15;
	v11 =	vld.idx.msk [tilespmem:v2+s17+$0x0], $0xffff;
	[tilespmem:s31+$0xFFFFE000] =	vst v17  }
0x2ab: {  	v0 =	vor.u32 $0x180, v8;
	v7 =	vor.u32 v9, v7;
	v10 =	vor.u32 $0x180, v5;
	[tilespmem:s8+$0xFFFFBF60] =	vst v13;
	v9 =	vld.idx.msk [tilespmem:v4+s17+$0x0], $0xffff  }
0x2ac: {  	s14 =	simm.s32 $0x3A0;
	v5 =	vor.u32 $0x100, v7;
	v2 =	vor.u32 $0x100, v8;
	v8 =	vor.u32 $0x100, v16;
	[tilespmem:s19+$0xFFFFDF50] =	vst v3;
	v13 =	vld.idx.msk [tilespmem:v6+s17+$0x0], $0xffff  }
0x2ad: {  	s22 =	simm.s32 $0xC;
	s2 =	simm.s32 $0x340;
	s13 =	simm.s32 $0x13AB0;
	v4 =	vor.u32 $0x80, v7;
	v6 =	vor.u32 $0x180, v16;
	v3 =	vor.u32 $0x180, v7;
	[tilespmem:s1+$0xFFFFBF70] =	vst v62;
	v15 =	vld.idx.msk [tilespmem:v63+s17+$0x0], $0xffff  }
.LBB2_9:
0x2ae: {  	v16 =	vld [tilespmem:s14+$0x20];
	[tilespmem:s19+$0xFFFFFFD0] =	vst v14;
	s15 =	sor.u32 $0x50, s2  }
0x2af: {  	v14 =	vld [tilespmem:s15+$0x0];
	[tilespmem:s8+$0xFFFFFFE0] =	vst v12  }
0x2b0: {  	s15 =	sor.u32 $0x60, s24;
	v12 =	vld [tilespmem:s14+$0xFFFFFFE0];
	[tilespmem:s1+$0xFFFFFFF0] =	vst v11  }
0x2b1: {  	v11 =	vld [tilespmem:s15+$0x0];
	s15 =	sor.u32 $0x70, s11;
	[tilespmem:s31+$0x0] =	vst v9;
	s11 =	smov.u32 s24;
	s24 =	smov.u32 s2  }
0x2b2: {  	s22 =	sadd.s32 $0x2, s22;
	[tilespmem:s8+$0xFFFFDF60] =	vst v13;
	v9 =	vld [tilespmem:s15+$0x0]  }
0x2b3: {  	p0 =	slt.u32 s22, $0x3E;
	[tilespmem:s19+$0xFFFFFF50] =	vst v15;
	v10 =	vld.idx.msk [tilespmem:v10+s17+$0x0], $0xffff  }
0x2b4: {  	v13 =	vand.u32 $0x7F, v16;
	v15 =	vshll.u32 v16, $0x2;
	v16 =	vld [tilespmem:s23+$0xFFFFFFF0];
	v17 =	vshll.u32 v14, $0x2  }
0x2b5: {  	v15 =	vand.u32 $0xFFFFFE00, v15;
	v14 =	vand.u32 $0x7F, v14;
	v17 =	vand.u32 $0xFFFFFE00, v17;
	v8 =	vld.idx.msk [tilespmem:v8+s17+$0x0], $0xffff  }
0x2b6: {  	v13 =	vor.u32 v13, v15;
	v14 =	vor.u32 v14, v17;
	v15 =	vshll.u32 v11, $0x2;
	v17 =	vld [tilespmem:s0+$0x10];
	s0 =	smov.u32 s5;
	s5 =	smov.u32 s9;
	s9 =	smov.u32 s23  }
0x2b7: {  	v11 =	vand.u32 $0x7F, v11;
	s23 =	smov.u32 s14;
	v15 =	vand.u32 $0xFFFFFE00, v15;
	v18 =	vshll.u32 v9, $0x2;
	v7 =	vld.idx.msk [tilespmem:v7+s17+$0x0], $0xffff  }
0x2b8: {  	v9 =	vand.u32 $0x7F, v9;
	v11 =	vor.u32 v11, v15;
	v15 =	vand.u32 $0xFFFFFE00, v18;
	v18 =	vld.idx.msk [tilespmem:v2+s17+$0x0], $0xffff;
	v2 =	vmovc v5  }
0x2b9: {  	v5 =	vand.u32 $0x7F, v12;
	v12 =	vshll.u32 v12, $0x2;
	[tilespmem:s8+$0xFFFFFF60] =	vst v10;
	v9 =	vor.u32 v9, v15;
	v15 =	vld.idx.msk [tilespmem:v1+s17+$0x0], $0xffff;
	v1 =	vmovc v0  }
0x2ba: {  	v10 =	vand.u32 $0xFFFFFE00, v12;
	v12 =	vand.u32 $0x7F, v16;
	v16 =	vshll.u32 v16, $0x2;
	v0 =	vmovc v3;
	v19 =	vld [tilespmem:s5+$0x0]  }
0x2bb: {  	v3 =	vor.u32 v5, v10;
	v10 =	vand.u32 $0xFFFFFE00, v16;
	v5 =	vld.idx.msk [tilespmem:v13+s17+$0x0], $0xffff;
	[tilespmem:s1+$0xFFFFDF70] =	vst v8;
	v8 =	vshll.u32 v17, $0x2  }
0x2bc: {  	v16 =	vor.u32 $0x80, v3;
	v20 =	vor.u32 $0x100, v3;
	v21 =	vor.u32 $0x180, v3;
	v22 =	vld.idx.msk [tilespmem:v14+s17+$0x0], $0xffff  }
0x2bd: {  	v23 =	vor.u32 $0x80, v13;
	v12 =	vor.u32 v12, v10;
	v25 =	vand.u32 $0xFFFFFE00, v8;
	v24 =	vld.idx.msk [tilespmem:v11+s17+$0x0], $0xffff;
	[tilespmem:s30+$0xFFFF9F80] =	vst v7  }
0x2be: {  	v26 =	vor.u32 $0x80, v12;
	v27 =	vor.u32 $0x100, v12;
	v7 =	vor.u32 $0x80, v14;
	v28 =	vld.idx.msk [tilespmem:v9+s17+$0x0], $0xffff;
	[tilespmem:s29+$0xFFFFDF80] =	vst v18  }
0x2bf: {  	v10 =	vor.u32 $0x180, v12;
	v18 =	vor.u32 $0x80, v11;
	v8 =	vshll.u32 v19, $0x2;
	v29 =	vld.idx.msk [tilespmem:v6+s17+$0x0], $0xffff;
	[tilespmem:s28+$0xFFFFFF80] =	vst v15;
	s28 =	smov.u32 s29;
	s29 =	smov.u32 s30;
	s30 =	smov.u32 s31  }
0x2c0: {  	s19 =	sadd.s32 $0x100, s19;
	s31 =	smov.u32 s1;
	s1 =	smov.u32 s8;
	v15 =	vld.idx.msk [tilespmem:v3+s17+$0x0], $0xffff;
	v3 =	vand.u32 $0x7F, v19;
	v6 =	vand.u32 $0xFFFFFE00, v8;
	v19 =	vor.u32 $0x80, v9  }
0x2c1: {  	s8 =	smov.u32 s13;
	s13 =	smov.u32 s19;
	[tilespmem:s19+$0xFFFF9FD0] =	vst v5;
	v30 =	vor.u32 v3, v6;
	v3 =	vand.u32 $0x7F, v17;
	v17 =	vld.idx.msk [tilespmem:v4+s17+$0x0], $0xffff  }
0x2c2: {  	v23 =	vld.idx.msk [tilespmem:v23+s17+$0x0], $0xffff;
	[tilespmem:s8+$0xFFFF9FE0] =	vst v22;
	v22 =	vor.u32 $0x80, v30;
	v8 =	vor.u32 $0x100, v30;
	v6 =	vor.u32 $0x180, v30  }
0x2c3: {  	v31 =	vld.idx.msk [tilespmem:v7+s17+$0x0], $0xffff;
	[tilespmem:s1+$0xFFFF9FF0] =	vst v24;
	v7 =	vor.u32 v3, v25  }
0x2c4: {  	v24 =	vor.u32 $0x100, v13;
	v18 =	vld.idx.msk [tilespmem:v18+s17+$0x0], $0xffff;
	[tilespmem:s31+$0xFFFFA000] =	vst v28;
	v4 =	vor.u32 $0x80, v7;
	v5 =	vor.u32 $0x100, v7  }
0x2c5: {  	v25 =	vor.u32 $0x100, v14;
	v3 =	vor.u32 $0x180, v7;
	[tilespmem:s31+$0xFFFFFF70] =	vst v29;
	v19 =	vld.idx.msk [tilespmem:v19+s17+$0x0], $0xffff  }
0x2c6: {  	[tilespmem:s19+$0xFFFF9F50] =	vst v15;
	v12 =	vld.idx.msk [tilespmem:v12+s17+$0x0], $0xffff;
	v15 =	vor.u32 $0x100, v11  }
0x2c7: {  	v28 =	vor.u32 $0x100, v9;
	v16 =	vld.idx.msk [tilespmem:v16+s17+$0x0], $0xffff;
	[tilespmem:s29+$0xFFFFBF80] =	vst v17  }
0x2c8: {  	[tilespmem:s19+$0xFFFFBFD0] =	vst v23;
	v17 =	vld.idx.msk [tilespmem:v30+s17+$0x0], $0xffff  }
0x2c9: {  	v23 =	vld.idx.msk [tilespmem:v24+s17+$0x0], $0xffff;
	[tilespmem:s8+$0xFFFFBFE0] =	vst v31  }
0x2ca: {  	v24 =	vld.idx.msk [tilespmem:v25+s17+$0x0], $0xffff;
	[tilespmem:s1+$0xFFFFBFF0] =	vst v18  }
0x2cb: {  	v13 =	vor.u32 $0x180, v13;
	v15 =	vld.idx.msk [tilespmem:v15+s17+$0x0], $0xffff;
	[tilespmem:s31+$0xFFFFC000] =	vst v19  }
0x2cc: {  	[tilespmem:s8+$0xFFFF9F60] =	vst v12;
	v12 =	vor.u32 $0x180, v14;
	v18 =	vld.idx.msk [tilespmem:v28+s17+$0x0], $0xffff  }
0x2cd: {  	v11 =	vor.u32 $0x180, v11;
	[tilespmem:s19+$0xFFFFBF50] =	vst v16;
	v16 =	vld.idx.msk [tilespmem:v26+s17+$0x0], $0xffff  }
0x2ce: {  	v9 =	vor.u32 $0x180, v9;
	v19 =	vld.idx.msk [tilespmem:v20+s17+$0x0], $0xffff;
	[tilespmem:s1+$0xFFFF9F70] =	vst v17  }
0x2cf: {  	[tilespmem:s19+$0xFFFFDFD0] =	vst v23;
	v17 =	vld.idx.msk [tilespmem:v22+s17+$0x0], $0xffff  }
0x2d0: {  	v14 =	vld.idx.msk [tilespmem:v13+s17+$0x0], $0xffff;
	[tilespmem:s8+$0xFFFFDFE0] =	vst v24  }
.Ltmp6:
0x2d1: {  	v12 =	vld.idx.msk [tilespmem:v12+s17+$0x0], $0xffff;
	[tilespmem:s1+$0xFFFFDFF0] =	vst v15;
	(pc) =	sbr.rel @p0 .LBB2_9-.Ltmp6, $4  }
0x2d2: {  	v11 =	vld.idx.msk [tilespmem:v11+s17+$0x0], $0xffff;
	[tilespmem:s31+$0xFFFFE000] =	vst v18  }
0x2d3: {  	[tilespmem:s8+$0xFFFFBF60] =	vst v16;
	v9 =	vld.idx.msk [tilespmem:v9+s17+$0x0], $0xffff  }
0x2d4: {  	[tilespmem:s19+$0xFFFFDF50] =	vst v19;
	v13 =	vld.idx.msk [tilespmem:v27+s17+$0x0], $0xffff  }
0x2d5: {  	s2 =	sadd.s32 $0x80, s2;
	s14 =	sadd.s32 $0x80, s14;
	v15 =	vld.idx.msk [tilespmem:v21+s17+$0x0], $0xffff;
	[tilespmem:s1+$0xFFFFBF70] =	vst v17  }
0x2d6: {  	_ =	sdelay $0x1  }
0x2d7: {  	[tilespmem:s19+$0xFFFFFFD0] =	vst v14;
	s14 =	sor.u32 $0x50, s2  }
0x2d8: {  	v14 =	vld [tilespmem:s14+$0x0]  }
0x2d9: {  	[tilespmem:s19+$0xFFFFFF50] =	vst v15  }
0x2da: {  	v15 =	vld [tilespmem:s23+$0xFFFFFFF0];
	_ =	sdelay $0x2  }
0x2db: {  	v16 =	vshll.u32 v14, $0x2  }
0x2dc: {  	v14 =	vand.u32 $0x7F, v14;
	v16 =	vand.u32 $0xFFFFFE00, v16  }
0x2dd: {  	v14 =	vor.u32 v14, v16;
	v32 =	vshll.u32 v15, $0x2  }
0x2de: {  	v15 =	vand.u32 $0x7F, v15;
	v16 =	vand.u32 $0xFFFFFE00, v32  }
0x2df: {  	v15 =	vor.u32 v15, v16;
	_ =	sdelay $0x2  }
0x2e0: {  	v33 =	vld.idx.msk [tilespmem:v14+s17+$0x0], $0xffff  }
0x2e1: {  	v17 =	vor.u32 $0x80, v14  }
0x2e2: {  	v18 =	vld.idx.msk [tilespmem:v15+s17+$0x0], $0xffff  }
0x2e3: {  	v19 =	vor.u32 $0x80, v15;
	_ =	sdelay $0x1  }
0x2e4: {  	[tilespmem:s13+$0xFFFF9FE0] =	vst v33  }
0x2e5: {  	v16 =	vld.idx.msk [tilespmem:v17+s17+$0x0], $0xffff  }
0x2e6: {  	v34 =	vor.u32 $0x100, v14;
	[tilespmem:s13+$0xFFFF9F60] =	vst v18  }
0x2e7: {  	v18 =	vld.idx.msk [tilespmem:v19+s17+$0x0], $0xffff  }
0x2e8: {  	v35 =	vor.u32 $0x100, v15;
	_ =	sdelay $0x1  }
0x2e9: {  	[tilespmem:s13+$0xFFFFBFE0] =	vst v16  }
0x2ea: {  	v16 =	vld.idx.msk [tilespmem:v34+s17+$0x0], $0xffff  }
0x2eb: {  	v14 =	vor.u32 $0x180, v14;
	[tilespmem:s13+$0xFFFFBF60] =	vst v18  }
0x2ec: {  	v36 =	vld.idx.msk [tilespmem:v35+s17+$0x0], $0xffff  }
0x2ed: {  	[tilespmem:s8+$0xFFFFFFE0] =	vst v12;
	s15 =	sor.u32 $0x60, s24;
	v15 =	vor.u32 $0x180, v15  }
0x2ee: {  	v37 =	vld [tilespmem:s15+$0x0];
	[tilespmem:s8+$0xFFFFDF60] =	vst v13  }
0x2ef: {  	v10 =	vld.idx.msk [tilespmem:v10+s17+$0x0], $0xffff;
	[tilespmem:s13+$0xFFFFDFE0] =	vst v16  }
0x2f0: {  	v14 =	vld.idx.msk [tilespmem:v14+s17+$0x0], $0xffff  }
0x2f1: {  	[tilespmem:s13+$0xFFFFDF60] =	vst v36  }
0x2f2: {  	v39 =	vld.idx.msk [tilespmem:v15+s17+$0x0], $0xffff  }
0x2f3: {  	v38 =	vshll.u32 v37, $0x2  }
0x2f4: {  	v40 =	vand.u32 $0x7F, v37;
	v12 =	vand.u32 $0xFFFFFE00, v38;
	[tilespmem:s8+$0xFFFFFF60] =	vst v10  }
0x2f5: {  	s19 =	sor.u32 $0x60, s2;
	v12 =	vor.u32 v40, v12;
	v10 =	vld [tilespmem:s9+$0x0];
	[tilespmem:s13+$0xFFFFFFE0] =	vst v14  }
0x2f6: {  	v14 =	vld [tilespmem:s19+$0x0]  }
0x2f7: {  	[tilespmem:s13+$0xFFFFFF60] =	vst v39  }
0x2f8: {  	v13 =	vld [tilespmem:s23+$0x0];
	_ =	sdelay $0x1  }
0x2f9: {  	v15 =	vld.idx.msk [tilespmem:v12+s17+$0x0], $0xffff  }
0x2fa: {  	v42 =	vor.u32 $0x80, v12;
	v43 =	vshll.u32 v10, $0x2;
	v41 =	vshll.u32 v14, $0x2  }
0x2fb: {  	v10 =	vand.u32 $0x7F, v10;
	v14 =	vand.u32 $0x7F, v14;
	v16 =	vand.u32 $0xFFFFFE00, v41  }
0x2fc: {  	v14 =	vor.u32 v14, v16;
	v16 =	vand.u32 $0xFFFFFE00, v43;
	v44 =	vshll.u32 v13, $0x2  }
0x2fd: {  	v10 =	vor.u32 v10, v16;
	v13 =	vand.u32 $0x7F, v13;
	v45 =	vand.u32 $0xFFFFFE00, v44  }
0x2fe: {  	v8 =	vld.idx.msk [tilespmem:v8+s17+$0x0], $0xffff;
	[tilespmem:s8+$0xFFFF9FF0] =	vst v15;
	v13 =	vor.u32 v13, v45  }
0x2ff: {  	v46 =	vld.idx.msk [tilespmem:v42+s17+$0x0], $0xffff  }
0x300: {  	v23 =	vld [tilespmem:s0+$0x10];
	v47 =	vor.u32 $0x100, v12  }
0x301: {  	v48 =	vld.idx.msk [tilespmem:v14+s17+$0x0], $0xffff  }
0x302: {  	v50 =	vor.u32 $0x80, v14;
	v51 =	vld.idx.msk [tilespmem:v10+s17+$0x0], $0xffff  }
0x303: {  	s11 =	sor.u32 $0x70, s11;
	[tilespmem:s1+$0xFFFFFFF0] =	vst v11;
	v20 =	vor.u32 $0x80, v10;
	v52 =	vld.idx.msk [tilespmem:v13+s17+$0x0], $0xffff  }
0x304: {  	v49 =	vld [tilespmem:s11+$0x0];
	[tilespmem:s8+$0xFFFFBFF0] =	vst v46;
	v21 =	vor.u32 $0x80, v13  }
0x305: {  	v11 =	vld.idx.msk [tilespmem:v47+s17+$0x0], $0xffff  }
0x306: {  	v7 =	vld.idx.msk [tilespmem:v7+s17+$0x0], $0xffff;
	v12 =	vor.u32 $0x180, v12;
	[tilespmem:s13+$0xFFFF9FF0] =	vst v48  }
0x307: {  	v18 =	vld.idx.msk [tilespmem:v50+s17+$0x0], $0xffff;
	[tilespmem:s8+$0xFFFF9F70] =	vst v51  }
0x308: {  	v22 =	vor.u32 $0x100, v14;
	v54 =	vld.idx.msk [tilespmem:v20+s17+$0x0], $0xffff;
	[tilespmem:s13+$0xFFFF9F70] =	vst v52  }
0x309: {  	v53 =	vshll.u32 v49, $0x2;
	v55 =	vor.u32 $0x100, v10;
	v56 =	vld.idx.msk [tilespmem:v21+s17+$0x0], $0xffff  }
0x30a: {  	v2 =	vld.idx.msk [tilespmem:v2+s17+$0x0], $0xffff;
	v17 =	vand.u32 $0x7F, v49;
	v15 =	vand.u32 $0xFFFFFE00, v53;
	v57 =	vor.u32 $0x100, v13;
	[tilespmem:s8+$0xFFFFDFF0] =	vst v11  }
0x30b: {  	[tilespmem:s1+$0xFFFFDF70] =	vst v8;
	v15 =	vor.u32 v17, v15;
	v12 =	vld.idx.msk [tilespmem:v12+s17+$0x0], $0xffff  }
0x30c: {  	v6 =	vld.idx.msk [tilespmem:v6+s17+$0x0], $0xffff;
	[tilespmem:s13+$0xFFFFBFF0] =	vst v18  }
0x30d: {  	v18 =	vld.idx.msk [tilespmem:v22+s17+$0x0], $0xffff;
	[tilespmem:s8+$0xFFFFBF70] =	vst v54  }
0x30e: {  	v14 =	vor.u32 $0x180, v14;
	v16 =	vld.idx.msk [tilespmem:v55+s17+$0x0], $0xffff;
	[tilespmem:s13+$0xFFFFBF70] =	vst v56  }
0x30f: {  	v10 =	vor.u32 $0x180, v10;
	v11 =	vld.idx.msk [tilespmem:v57+s17+$0x0], $0xffff  }
0x310: {  	s22 =	sor.u32 $0x70, s24;
	v58 =	vld.idx.msk [tilespmem:v15+s17+$0x0], $0xffff;
	v13 =	vor.u32 $0x180, v13;
	[tilespmem:s8+$0xFFFFFFF0] =	vst v12  }
0x311: {  	[tilespmem:s30+$0xFFFF9F80] =	vst v7;
	v12 =	vld [tilespmem:s22+$0x0]  }
0x312: {  	v4 =	vld.idx.msk [tilespmem:v4+s17+$0x0], $0xffff;
	v59 =	vor.u32 $0x80, v15;
	[tilespmem:s13+$0xFFFFDFF0] =	vst v18  }
0x313: {  	v14 =	vld.idx.msk [tilespmem:v14+s17+$0x0], $0xffff;
	[tilespmem:s8+$0xFFFFDF70] =	vst v16  }
0x314: {  	v10 =	vld.idx.msk [tilespmem:v10+s17+$0x0], $0xffff;
	[tilespmem:s13+$0xFFFFDF70] =	vst v11  }
0x315: {  	[tilespmem:s1+$0xFFFFFF70] =	vst v6;
	v11 =	vld.idx.msk [tilespmem:v13+s17+$0x0], $0xffff  }
0x316: {  	v62 =	vld [tilespmem:s5+$0x10];
	[tilespmem:s1+$0xFFFFA000] =	vst v58;
	v61 =	vshll.u32 v12, $0x2  }
0x317: {  	[tilespmem:s30+$0xFFFFBF80] =	vst v4;
	v8 =	vld.idx.msk [tilespmem:v59+s17+$0x0], $0xffff;
	v12 =	vand.u32 $0x7F, v12;
	v6 =	vand.u32 $0xFFFFFE00, v61  }
0x318: {  	s24 =	sor.u32 $0x70, s2;
	v5 =	vld.idx.msk [tilespmem:v5+s17+$0x0], $0xffff;
	v6 =	vor.u32 v12, v6;
	[tilespmem:s13+$0xFFFFFFF0] =	vst v14  }
0x319: {  	v63 =	vld [tilespmem:s24+$0x0];
	[tilespmem:s8+$0xFFFFFF70] =	vst v10  }
0x31a: {  	v25 =	vld [tilespmem:s9+$0x10];
	[tilespmem:s13+$0xFFFFFF70] =	vst v11  }
0x31b: {  	v27 =	vshll.u32 v62, $0x2;
	v31 =	vand.u32 $0x7F, v62;
	v21 =	vshll.u32 v23, $0x2;
	v26 =	vld [tilespmem:s23+$0x10]  }
0x31c: {  	v60 =	vor.u32 $0x100, v15;
	[tilespmem:s1+$0xFFFFC000] =	vst v8;
	v23 =	vand.u32 $0x7F, v23;
	v8 =	vand.u32 $0xFFFFFE00, v21  }
0x31d: {  	v8 =	vor.u32 v23, v8;
	v30 =	vor.u32 $0x80, v6;
	v28 =	vld.idx.msk [tilespmem:v6+s17+$0x0], $0xffff;
	v11 =	vand.u32 $0xFFFFFE00, v27  }
0x31e: {  	v1 =	vld.idx.msk [tilespmem:v1+s17+$0x0], $0xffff;
	[tilespmem:s29+$0xFFFFDF80] =	vst v2;
	v11 =	vor.u32 v31, v11;
	v29 =	vshll.u32 v63, $0x2;
	v7 =	vand.u32 $0x7F, v63  }
0x31f: {  	v0 =	vld.idx.msk [tilespmem:v0+s17+$0x0], $0xffff;
	[tilespmem:s30+$0xFFFFDF80] =	vst v5;
	v17 =	vand.u32 $0xFFFFFE00, v29;
	v33 =	vshll.u32 v25, $0x2;
	v35 =	vand.u32 $0x7F, v25  }
0x320: {  	v3 =	vld.idx.msk [tilespmem:v3+s17+$0x0], $0xffff;
	v7 =	vor.u32 v7, v17;
	v12 =	vand.u32 $0xFFFFFE00, v33;
	v36 =	vshll.u32 v26, $0x2  }
0x321: {  	[tilespmem:s31+$0x0] =	vst v9;
	v22 =	vld.idx.msk [tilespmem:v60+s17+$0x0], $0xffff;
	v12 =	vor.u32 v35, v12;
	v10 =	vand.u32 $0x7F, v26;
	v37 =	vand.u32 $0xFFFFFE00, v36  }
0x322: {  	v34 =	vld.idx.msk [tilespmem:v8+s17+$0x0], $0xffff;
	[tilespmem:s8+$0xFFFFA000] =	vst v28;
	v10 =	vor.u32 v10, v37  }
0x323: {  	[tilespmem:s28+$0xFFFFFF80] =	vst v1;
	v42 =	vor.u32 $0x80, v8;
	v38 =	vld.idx.msk [tilespmem:v30+s17+$0x0], $0xffff  }
0x324: {  	[tilespmem:s29+$0xFFFFFF80] =	vst v0;
	v39 =	vor.u32 $0x100, v6;
	v43 =	vld.idx.msk [tilespmem:v11+s17+$0x0], $0xffff  }
0x325: {  	[tilespmem:s30+$0xFFFFFF80] =	vst v3;
	v44 =	vor.u32 $0x80, v11;
	v40 =	vld.idx.msk [tilespmem:v7+s17+$0x0], $0xffff  }
0x326: {  	[tilespmem:s1+$0xFFFFE000] =	vst v22;
	v41 =	vor.u32 $0x80, v7;
	v45 =	vld.idx.msk [tilespmem:v12+s17+$0x0], $0xffff  }
0x327: {  	[tilespmem:s31+$0xFFFF9F80] =	vst v34;
	v46 =	vor.u32 $0x80, v12;
	v47 =	vld.idx.msk [tilespmem:v10+s17+$0x0], $0xffff  }
0x328: {  	v51 =	vld.idx.msk [tilespmem:v42+s17+$0x0], $0xffff;
	[tilespmem:s8+$0xFFFFC000] =	vst v38;
	v48 =	vor.u32 $0x80, v10  }
0x329: {  	v53 =	vor.u32 $0x100, v8;
	v1 =	vld.idx.msk [tilespmem:v39+s17+$0x0], $0xffff;
	[tilespmem:s1+$0xFFFF9F80] =	vst v43  }
0x32a: {  	v49 =	vor.u32 $0x180, v6;
	v5 =	vld.idx.msk [tilespmem:v44+s17+$0x0], $0xffff;
	[tilespmem:s13+$0xFFFFA000] =	vst v40  }
0x32b: {  	v54 =	vor.u32 $0x100, v11;
	v50 =	vld.idx.msk [tilespmem:v41+s17+$0x0], $0xffff;
	[tilespmem:s8+$0xFFFF9F80] =	vst v45  }
0x32c: {  	v52 =	vor.u32 $0x100, v7;
	v2 =	vld.idx.msk [tilespmem:v46+s17+$0x0], $0xffff;
	[tilespmem:s13+$0xFFFF9F80] =	vst v47  }
0x32d: {  	[tilespmem:s31+$0xFFFFBF80] =	vst v51;
	v55 =	vor.u32 $0x100, v12;
	v13 =	vld.idx.msk [tilespmem:v48+s17+$0x0], $0xffff  }
0x32e: {  	v9 =	vld.idx.msk [tilespmem:v53+s17+$0x0], $0xffff;
	v56 =	vor.u32 $0x100, v10;
	[tilespmem:s8+$0xFFFFE000] =	vst v1  }
0x32f: {  	v24 =	vor.u32 $0x180, v15;
	v0 =	vld.idx.msk [tilespmem:v49+s17+$0x0], $0xffff;
	[tilespmem:s1+$0xFFFFBF80] =	vst v5  }
0x330: {  	v58 =	vor.u32 $0x180, v8;
	v59 =	vld.idx.msk [tilespmem:v54+s17+$0x0], $0xffff;
	[tilespmem:s13+$0xFFFFC000] =	vst v50  }
0x331: {  	v60 =	vor.u32 $0x180, v11;
	v4 =	vld.idx.msk [tilespmem:v52+s17+$0x0], $0xffff;
	[tilespmem:s8+$0xFFFFBF80] =	vst v2  }
0x332: {  	v57 =	vor.u32 $0x180, v7;
	v1 =	vld.idx.msk [tilespmem:v55+s17+$0x0], $0xffff;
	[tilespmem:s13+$0xFFFFBF80] =	vst v13  }
0x333: {  	v61 =	vor.u32 $0x180, v12;
	[tilespmem:s31+$0xFFFFDF80] =	vst v9;
	v6 =	vld.idx.msk [tilespmem:v56+s17+$0x0], $0xffff  }
0x334: {  	v32 =	vld.idx.msk [tilespmem:v24+s17+$0x0], $0xffff;
	v62 =	vor.u32 $0x180, v10;
	[tilespmem:s8+$0x0] =	vst v0  }
0x335: {  	v7 =	vld.idx.msk [tilespmem:v58+s17+$0x0], $0xffff;
	[tilespmem:s1+$0xFFFFDF80] =	vst v59  }
0x336: {  	v2 =	vld.idx.msk [tilespmem:v60+s17+$0x0], $0xffff;
	[tilespmem:s13+$0xFFFFE000] =	vst v4  }
0x337: {  	v5 =	vld.idx.msk [tilespmem:v57+s17+$0x0], $0xffff;
	[tilespmem:s8+$0xFFFFDF80] =	vst v1  }
0x338: {  	v0 =	vld.idx.msk [tilespmem:v61+s17+$0x0], $0xffff;
	[tilespmem:s13+$0xFFFFDF80] =	vst v6  }
0x339: {  	[tilespmem:s1+$0x0] =	vst v32;
	v63 =	vld.idx.msk [tilespmem:v62+s17+$0x0], $0xffff  }
0x33a: {  	p0 =	seq.s32 s25, $0x1F;
	[tilespmem:s31+$0xFFFFFF80] =	vst v7  }
.Ltmp7:
0x33b: {  	s30 =	sadd.s32 s26, s4;
	[tilespmem:s1+$0xFFFFFF80] =	vst v2;
	(pc) =	sbr.rel @p0 .LBB2_12-.Ltmp7, $4  }
0x33c: {  	s0 =	sshll.u32 s30, $0xA;
	[tilespmem:s13+$0x0] =	vst v5  }
0x33d: {  	s0 =	sadd.s32 s6, s0;
	[tilespmem:s8+$0xFFFFFF80] =	vst v0  }
0x33e: {  	s0 =	sadd.s32 $0x1000, s0;
	s31 =	simm.s32 $0xD400;
	[tilespmem:s13+$0xFFFFFF80] =	vst v63  }
0x33f: {  	[hbm4b:s0+s3] =	stream.linear.scatter [tilespmem:s31], [sflag:$0x4], $0x8000, $0x38;
	[tilespmem:$0x15400] =	vst v63  }
.Ltmp8:
0x340: {  	s0 =	sadd.s32 s25, s12;
	(pc) =	sbr.rel .LBB2_2-.Ltmp8, $4  }
0x341: {  	s0 =	smul.u32 $0x880, s0  }
0x342: {  	s1 =	simm.s32 $0x200  }
0x343: {  	s2 =	simm.s32 $0x400;
	s25 =	sadd.s32 $0x1, s25;
	s0 =	sadd.s32 s0, s7  }
0x344: {  	[tilespmem:s17], [sflag:$0x2] =	stream.strided.gather [hbm4b:s0+s1], $0x2200, s2, s1, $0x38;
	[tilespmem:$0x15400] =	vst v63  }
.LBB2_13:
0x345: {  	_ =	sfence.sel $0x180000  }
0x346: {  	[bflag:$0x0] =	sbarrier.arrive $0xFFFF  }
0x347: {  	_ =	strace $0x90000047  }
0x348: {  	s0 =	stileid.u32;
	[bflag:$0x2] =	sbarrier.arrive $0xFFFF  }
0x349: {  	p0 =	sne.s32 s0, $0x0;
	s0 =	rddreg [dreg:$0x2]  }
0x34a: {  	s0 =	sadd.s32 @!p0 $0x100000, s0  }
0x34b: {  	[sflag:s0] =	ssyncadd.tile.s32 @!p0 $0x1;
	_ =	shalt  }
.Lfunc_end2:
_tile_overlayer_lowered:
.L_overlay_start_2:
0x34c: {  	(tag) =	ssettag $0x2  }
0x34d: {  	s0 =	rddreg [dreg:$0x0];
	s2 =	stileid.u32  }
0x34e: {  	s1 =	rddreg [dreg:$0x1];
	p0 =	sne.s32 s2, $0x0  }
0x34f: {  	s3 =	rddreg [dreg:$0x2];
	[bflag:$0x3] =	sbarrier.arrive $0xFFFF;
	s2 =	simm.s32 @!p0 $0x1C05  }
0x350: {  	[timem:s3], [sflag:s2] =	dma.local @!p0 [hbm:s0], s1  }
0x351: {  	s0 =	simm.s32 @!p0 $0x5  }
0x352: {  	_ =	swait.ge @!p0 [sflag:s0], s1  }
0x353: {  	s1 =	ssub.s32 @!p0 $0x0, s1;
	[sflag:s0] =	ssyncset.done @!p0 $0x0  }
0x354: {  	[sflag:s0] =	ssyncadd.s32 @!p0 s1  }
0x355: {  	[bflag:$0x3] =	sbarrier.arrive $0xFFFF  }
0x356: {  	_ =	shalt  }

</sc_bundles>
